<compile_context>
chip_gen: v7x
topology: tpu7x:2x2x1
jax: 0.10.2.dev20260603
libtpu: 0.0.44.dev20260713+nightly
codegen_flags: <defaults>
</compile_context>

<pallas_src>
import jax
import jax.numpy as jnp
from jax import lax
from jax.experimental import pallas as pl
from jax.experimental.pallas import tpu as pltpu
from jax.experimental.pallas import tpu_sc as plsc

_BATCH = 2
_SEQ = 8192
_EMBED = 1024

_NC = 2
_NS = 16
_NW = _NC * _NS
_L = 16

_ROWS_PER_W = _SEQ // _NW
_R = 8
_NCHUNK = _ROWS_PER_W // _R


def _sc_add_body(x_hbm, pos_hbm, out_hbm,
                 x0a, x0b, x1a, x1b, y0a, y0b, y1a, y1b, pba, pbb,
                 sx0a, sx0b, sx1a, sx1b, sy0a, sy0b, sy1a, sy1b, spa, spb):
    x0 = (x0a, x0b)
    x1 = (x1a, x1b)
    y0 = (y0a, y0b)
    y1 = (y1a, y1b)
    pb = (pba, pbb)
    sx0 = (sx0a, sx0b)
    sx1 = (sx1a, sx1b)
    sy0 = (sy0a, sy0b)
    sy1 = (sy1a, sy1b)
    sp = (spa, spb)

    wid = lax.axis_index("s") * _NC + lax.axis_index("c")
    row_base = wid * _ROWS_PER_W

    def loads(ci, j):
        r0 = row_base + ci * _R
        return (
            pltpu.make_async_copy(pos_hbm.at[pl.ds(r0, _R), :], pb[j], sp[j]),
            pltpu.make_async_copy(x_hbm.at[pl.ds(r0, _R), :], x0[j], sx0[j]),
            pltpu.make_async_copy(x_hbm.at[pl.ds(_SEQ + r0, _R), :],
                                  x1[j], sx1[j]),
        )

    def stores(ci, j):
        r0 = row_base + ci * _R
        return (
            pltpu.make_async_copy(y0[j], out_hbm.at[pl.ds(r0, _R), :], sy0[j]),
            pltpu.make_async_copy(y1[j], out_hbm.at[pl.ds(_SEQ + r0, _R), :],
                                  sy1[j]),
        )

    for c in loads(0, 0):
        c.start()
    for c in loads(1, 1):
        c.start()

    def step(p, carry):
        for j in (0, 1):
            ci = 2 * p + j
            for c in loads(ci, j):
                c.wait()

            @pl.when(ci >= 2)
            def _():
                for c in stores(ci - 2, j):
                    c.wait()

            x0j, x1j, y0j, y1j, pbj = x0[j], x1[j], y0[j], y1[j], pb[j]

            @plsc.parallel_loop(0, _R, step=1, unroll=1)
            def _(r):
                @plsc.parallel_loop(0, _EMBED, step=_L, unroll=8)
                def _(t):
                    cs = pl.ds(t, _L)
                    pv = pbj[r, cs]
                    y0j[r, cs] = x0j[r, cs] + pv
                    y1j[r, cs] = x1j[r, cs] + pv

            for c in stores(ci, j):
                c.start()

            @pl.when(ci + 2 < _NCHUNK)
            def _():
                for c in loads(ci + 2, j):
                    c.start()
        return carry

    lax.fori_loop(0, _NCHUNK // 2, step, 0)

    for c in stores(_NCHUNK - 2, 0):
        c.wait()
    for c in stores(_NCHUNK - 1, 1):
        c.wait()


_sc_add = pl.kernel(
    _sc_add_body,
    out_type=jax.ShapeDtypeStruct((_BATCH * _SEQ, _EMBED), jnp.float32),
    mesh=plsc.VectorSubcoreMesh(core_axis_name="c", subcore_axis_name="s"),
    compiler_params=pltpu.CompilerParams(use_tc_tiling_on_sc=True),
    scratch_types=(
        [pltpu.VMEM((_R, _EMBED), jnp.float32)] * 10
        + [pltpu.SemaphoreType.DMA] * 10
    ),
)


def kernel(x, position_matrix):
    out2d = _sc_add(x.reshape(_BATCH * _SEQ, _EMBED), position_matrix)
    return out2d.reshape(x.shape)

# --- scband reference (transcript-rebuilt; emitter-appended) ---
"""Pipeline reference for scband-position-encoding-layer-33526514713008 (READ-ONLY COPY).

The authoritative reference and input builder live on the scoring server;
editing this copy changes nothing except your own understanding.
"""

import jax, jax.numpy as jnp
import numpy as np

CONTEXT_SIZE = 8192
EMBED_SIZE = 1024
BATCH = 2
SEQ = 8192

def setup_inputs(seed: int = 0) -> dict:
    key = jax.random.key(seed)
    k1, k2 = jax.random.split(key)
    x = jax.random.normal(k1, (BATCH, SEQ, EMBED_SIZE), dtype=jnp.float32)
    # learned position embedding table, sized per init_kwargs
    position_matrix = jax.random.normal(k2, (CONTEXT_SIZE, EMBED_SIZE), dtype=jnp.float32) * 0.02
    return {"x": x, "position_matrix": position_matrix}

def reference(x, position_matrix):
    # sequence = torch.arange(x.size(1))
    sequence = jnp.arange(x.shape[1])
    # position_encoding = self.position_matrix(sequence)  -> embedding gather
    position_encoding = jnp.take(position_matrix, sequence, axis=0)
    # x + position_encoding.unsqueeze(0)
    return x + position_encoding[None, :, :]

if __name__ == "__main__":
    import jax
    _d = setup_inputs()
    print(jax.jit(kernel)(*tuple(_d.values())))

</pallas_src>

<mosaic_0001>
#map = affine_map<(d0, d1) -> (0, 0)>
module attributes {stable_mosaic.version = 14 : i64} {
  func.func @_sc_add_body(%arg0: i32, %arg1: i32, %arg2: memref<16384x1024xf32, #tpu.memory_space<hbm>>, %arg3: memref<8192x1024xf32, #tpu.memory_space<hbm>>, %arg4: memref<16384x1024xf32, #tpu.memory_space<hbm>>, %arg5: memref<8x1024xf32, #tpu.memory_space<vmem>>, %arg6: memref<8x1024xf32, #tpu.memory_space<vmem>>, %arg7: memref<8x1024xf32, #tpu.memory_space<vmem>>, %arg8: memref<8x1024xf32, #tpu.memory_space<vmem>>, %arg9: memref<8x1024xf32, #tpu.memory_space<vmem>>, %arg10: memref<8x1024xf32, #tpu.memory_space<vmem>>, %arg11: memref<8x1024xf32, #tpu.memory_space<vmem>>, %arg12: memref<8x1024xf32, #tpu.memory_space<vmem>>, %arg13: memref<8x1024xf32, #tpu.memory_space<vmem>>, %arg14: memref<8x1024xf32, #tpu.memory_space<vmem>>, %arg15: memref<!tpu.dma_semaphore, #tpu.memory_space<semaphore_mem>>, %arg16: memref<!tpu.dma_semaphore, #tpu.memory_space<semaphore_mem>>, %arg17: memref<!tpu.dma_semaphore, #tpu.memory_space<semaphore_mem>>, %arg18: memref<!tpu.dma_semaphore, #tpu.memory_space<semaphore_mem>>, %arg19: memref<!tpu.dma_semaphore, #tpu.memory_space<semaphore_mem>>, %arg20: memref<!tpu.dma_semaphore, #tpu.memory_space<semaphore_mem>>, %arg21: memref<!tpu.dma_semaphore, #tpu.memory_space<semaphore_mem>>, %arg22: memref<!tpu.dma_semaphore, #tpu.memory_space<semaphore_mem>>, %arg23: memref<!tpu.dma_semaphore, #tpu.memory_space<semaphore_mem>>, %arg24: memref<!tpu.dma_semaphore, #tpu.memory_space<semaphore_mem>>) attributes {dimension_semantics = [#tpu.dimension_semantics<core_parallel>, #tpu.dimension_semantics<subcore_parallel>], iteration_bounds = array<i64: 2, 16>, scalar_prefetch = 0 : i64, scratch_operands = 20 : i64, tpu.core_type = #tpu.core_type<sc_vector_subcore>, window_params = [{transform_indices = #map}, {transform_indices = #map}, {transform_indices = #map}]} {
    %mul3A = arith.constant 2 : i32
    %mul3A_0 = arith.muli %arg1, %mul3A : i32
    %add3A = arith.addi %mul3A_0, %arg0 : i32
    %mul3A_1 = arith.constant 256 : i32
    %mul3A_2 = arith.muli %add3A, %mul3A_1 : i32
    %add3A_3 = arith.constant 0 : i32
    %add3A_4 = arith.addi %mul3A_2, %add3A_3 : i32
    %add3A_5 = arith.constant 8192 : i32
    %add3A_6 = arith.addi %add3A_5, %add3A_4 : i32
    %dma_start3A = arith.constant 0 : i32
    %dma_start3A_7 = tpu.memref_slice %arg3[%add3A_4, %dma_start3A] : memref<8192x1024xf32, #tpu.memory_space<hbm>> -> memref<8x1024xf32, #tpu.memory_space<hbm>>
    %dma_start3A_8 = arith.constant 0 : i32
    %dma_start3A_9 = tpu.memref_slice %arg3[%add3A_4, %dma_start3A_8] : memref<8192x1024xf32, #tpu.memory_space<hbm>> -> memref<8x1024xf32, #tpu.memory_space<hbm>>
    tpu.enqueue_dma source(%dma_start3A_9 : memref<8x1024xf32, #tpu.memory_space<hbm>>) target(%arg13 : memref<8x1024xf32, #tpu.memory_space<vmem>>) target_semaphore(%arg23 : memref<!tpu.dma_semaphore, #tpu.memory_space<semaphore_mem>>)
    %dma_start3A_10 = arith.constant 0 : i32
    %dma_start3A_11 = tpu.memref_slice %arg2[%add3A_4, %dma_start3A_10] : memref<16384x1024xf32, #tpu.memory_space<hbm>> -> memref<8x1024xf32, #tpu.memory_space<hbm>>
    %dma_start3A_12 = arith.constant 0 : i32
    %dma_start3A_13 = tpu.memref_slice %arg2[%add3A_4, %dma_start3A_12] : memref<16384x1024xf32, #tpu.memory_space<hbm>> -> memref<8x1024xf32, #tpu.memory_space<hbm>>
    tpu.enqueue_dma source(%dma_start3A_13 : memref<8x1024xf32, #tpu.memory_space<hbm>>) target(%arg5 : memref<8x1024xf32, #tpu.memory_space<vmem>>) target_semaphore(%arg15 : memref<!tpu.dma_semaphore, #tpu.memory_space<semaphore_mem>>)
    %dma_start3A_14 = arith.constant 0 : i32
    %dma_start3A_15 = tpu.memref_slice %arg2[%add3A_6, %dma_start3A_14] : memref<16384x1024xf32, #tpu.memory_space<hbm>> -> memref<8x1024xf32, #tpu.memory_space<hbm>>
    %dma_start3A_16 = arith.constant 0 : i32
    %dma_start3A_17 = tpu.memref_slice %arg2[%add3A_6, %dma_start3A_16] : memref<16384x1024xf32, #tpu.memory_space<hbm>> -> memref<8x1024xf32, #tpu.memory_space<hbm>>
    tpu.enqueue_dma source(%dma_start3A_17 : memref<8x1024xf32, #tpu.memory_space<hbm>>) target(%arg7 : memref<8x1024xf32, #tpu.memory_space<vmem>>) target_semaphore(%arg17 : memref<!tpu.dma_semaphore, #tpu.memory_space<semaphore_mem>>)
    %add3A_18 = arith.constant 8 : i32
    %add3A_19 = arith.addi %mul3A_2, %add3A_18 : i32
    %add3A_20 = arith.constant 8192 : i32
    %add3A_21 = arith.addi %add3A_20, %add3A_19 : i32
    %dma_start3A_22 = arith.constant 0 : i32
    %dma_start3A_23 = tpu.memref_slice %arg3[%add3A_19, %dma_start3A_22] : memref<8192x1024xf32, #tpu.memory_space<hbm>> -> memref<8x1024xf32, #tpu.memory_space<hbm>>
    %dma_start3A_24 = arith.constant 0 : i32
    %dma_start3A_25 = tpu.memref_slice %arg3[%add3A_19, %dma_start3A_24] : memref<8192x1024xf32, #tpu.memory_space<hbm>> -> memref<8x1024xf32, #tpu.memory_space<hbm>>
    tpu.enqueue_dma source(%dma_start3A_25 : memref<8x1024xf32, #tpu.memory_space<hbm>>) target(%arg14 : memref<8x1024xf32, #tpu.memory_space<vmem>>) target_semaphore(%arg24 : memref<!tpu.dma_semaphore, #tpu.memory_space<semaphore_mem>>)
    %dma_start3A_26 = arith.constant 0 : i32
    %dma_start3A_27 = tpu.memref_slice %arg2[%add3A_19, %dma_start3A_26] : memref<16384x1024xf32, #tpu.memory_space<hbm>> -> memref<8x1024xf32, #tpu.memory_space<hbm>>
    %dma_start3A_28 = arith.constant 0 : i32
    %dma_start3A_29 = tpu.memref_slice %arg2[%add3A_19, %dma_start3A_28] : memref<16384x1024xf32, #tpu.memory_space<hbm>> -> memref<8x1024xf32, #tpu.memory_space<hbm>>
    tpu.enqueue_dma source(%dma_start3A_29 : memref<8x1024xf32, #tpu.memory_space<hbm>>) target(%arg6 : memref<8x1024xf32, #tpu.memory_space<vmem>>) target_semaphore(%arg16 : memref<!tpu.dma_semaphore, #tpu.memory_space<semaphore_mem>>)
    %dma_start3A_30 = arith.constant 0 : i32
    %dma_start3A_31 = tpu.memref_slice %arg2[%add3A_21, %dma_start3A_30] : memref<16384x1024xf32, #tpu.memory_space<hbm>> -> memref<8x1024xf32, #tpu.memory_space<hbm>>
    %dma_start3A_32 = arith.constant 0 : i32
    %dma_start3A_33 = tpu.memref_slice %arg2[%add3A_21, %dma_start3A_32] : memref<16384x1024xf32, #tpu.memory_space<hbm>> -> memref<8x1024xf32, #tpu.memory_space<hbm>>
    tpu.enqueue_dma source(%dma_start3A_33 : memref<8x1024xf32, #tpu.memory_space<hbm>>) target(%arg8 : memref<8x1024xf32, #tpu.memory_space<vmem>>) target_semaphore(%arg18 : memref<!tpu.dma_semaphore, #tpu.memory_space<semaphore_mem>>)
    %scan3A = arith.constant 0 : i32
    %scan3A_34 = arith.constant 0 : i32
    %scan3A_35 = arith.constant 16 : i32
    %scan3A_36 = arith.addi %scan3A_34, %scan3A_35 : i32
    %scan3A_37 = arith.constant 1 : i32
    scf.for %scan3A_62 = %scan3A_34 to %scan3A_36 step %scan3A_37  : i32 {
      %mul3A_63 = arith.constant 2 : i32
      %mul3A_64 = arith.muli %mul3A_63, %scan3A_62 : i32
      %add3A_65 = arith.constant 0 : i32
      %add3A_66 = arith.addi %mul3A_64, %add3A_65 : i32
      %mul3A_67 = arith.constant 8 : i32
      %mul3A_68 = arith.muli %add3A_66, %mul3A_67 : i32
      %add3A_69 = arith.addi %mul3A_2, %mul3A_68 : i32
      %add3A_70 = arith.constant 8192 : i32
      %add3A_71 = arith.addi %add3A_70, %add3A_69 : i32
      %dma_wait3A_72 = arith.constant 0 : i32
      %dma_wait3A_73 = tpu.memref_slice %arg3[%add3A_69, %dma_wait3A_72] : memref<8192x1024xf32, #tpu.memory_space<hbm>> -> memref<8x1024xf32, #tpu.memory_space<hbm>>
      %dma_wait3A_74 = arith.constant 0 : i32
      %dma_wait3A_75 = tpu.memref_slice %arg3[%add3A_69, %dma_wait3A_74] : memref<8192x1024xf32, #tpu.memory_space<hbm>> -> memref<8x1024xf32, #tpu.memory_space<hbm>>
      tpu.wait_dma2 semaphore(%arg23 : memref<!tpu.dma_semaphore, #tpu.memory_space<semaphore_mem>>) src(%dma_wait3A_75 : memref<8x1024xf32, #tpu.memory_space<hbm>>) dst(%arg13 : memref<8x1024xf32, #tpu.memory_space<vmem>>)
      %dma_wait3A_76 = arith.constant 0 : i32
      %dma_wait3A_77 = tpu.memref_slice %arg2[%add3A_69, %dma_wait3A_76] : memref<16384x1024xf32, #tpu.memory_space<hbm>> -> memref<8x1024xf32, #tpu.memory_space<hbm>>
      %dma_wait3A_78 = arith.constant 0 : i32
      %dma_wait3A_79 = tpu.memref_slice %arg2[%add3A_69, %dma_wait3A_78] : memref<16384x1024xf32, #tpu.memory_space<hbm>> -> memref<8x1024xf32, #tpu.memory_space<hbm>>
      tpu.wait_dma2 semaphore(%arg15 : memref<!tpu.dma_semaphore, #tpu.memory_space<semaphore_mem>>) src(%dma_wait3A_79 : memref<8x1024xf32, #tpu.memory_space<hbm>>) dst(%arg5 : memref<8x1024xf32, #tpu.memory_space<vmem>>)
      %dma_wait3A_80 = arith.constant 0 : i32
      %dma_wait3A_81 = tpu.memref_slice %arg2[%add3A_71, %dma_wait3A_80] : memref<16384x1024xf32, #tpu.memory_space<hbm>> -> memref<8x1024xf32, #tpu.memory_space<hbm>>
      %dma_wait3A_82 = arith.constant 0 : i32
      %dma_wait3A_83 = tpu.memref_slice %arg2[%add3A_71, %dma_wait3A_82] : memref<16384x1024xf32, #tpu.memory_space<hbm>> -> memref<8x1024xf32, #tpu.memory_space<hbm>>
      tpu.wait_dma2 semaphore(%arg17 : memref<!tpu.dma_semaphore, #tpu.memory_space<semaphore_mem>>) src(%dma_wait3A_83 : memref<8x1024xf32, #tpu.memory_space<hbm>>) dst(%arg7 : memref<8x1024xf32, #tpu.memory_space<vmem>>)
      %ge3A = arith.constant 2 : i32
      %ge3A_84 = arith.cmpi sge, %add3A_66, %ge3A : i32
      %convert_element_type3A = arith.extui %ge3A_84 : i1 to i32
      %cond3A = arith.constant 0 : i32
      %cond3A_85 = arith.cmpi ne, %convert_element_type3A, %cond3A : i32
      scf.if %cond3A_85 {
        %sub3A = arith.constant 2 : i32
        %sub3A_156 = arith.subi %add3A_66, %sub3A : i32
        %mul3A_157 = arith.constant 8 : i32
        %mul3A_158 = arith.muli %sub3A_156, %mul3A_157 : i32
        %add3A_159 = arith.addi %mul3A_2, %mul3A_158 : i32
        %add3A_160 = arith.constant 8192 : i32
        %add3A_161 = arith.addi %add3A_160, %add3A_159 : i32
        %dma_wait3A_162 = arith.constant 0 : i32
        %dma_wait3A_163 = tpu.memref_slice %arg4[%add3A_159, %dma_wait3A_162] : memref<16384x1024xf32, #tpu.memory_space<hbm>> -> memref<8x1024xf32, #tpu.memory_space<hbm>>
        %dma_wait3A_164 = arith.constant 0 : i32
        %dma_wait3A_165 = tpu.memref_slice %arg4[%add3A_159, %dma_wait3A_164] : memref<16384x1024xf32, #tpu.memory_space<hbm>> -> memref<8x1024xf32, #tpu.memory_space<hbm>>
        tpu.wait_dma2 semaphore(%arg19 : memref<!tpu.dma_semaphore, #tpu.memory_space<semaphore_mem>>) src(%arg9 : memref<8x1024xf32, #tpu.memory_space<vmem>>) dst(%dma_wait3A_165 : memref<8x1024xf32, #tpu.memory_space<hbm>>)
        %dma_wait3A_166 = arith.constant 0 : i32
        %dma_wait3A_167 = tpu.memref_slice %arg4[%add3A_161, %dma_wait3A_166] : memref<16384x1024xf32, #tpu.memory_space<hbm>> -> memref<8x1024xf32, #tpu.memory_space<hbm>>
        %dma_wait3A_168 = arith.constant 0 : i32
        %dma_wait3A_169 = tpu.memref_slice %arg4[%add3A_161, %dma_wait3A_168] : memref<16384x1024xf32, #tpu.memory_space<hbm>> -> memref<8x1024xf32, #tpu.memory_space<hbm>>
        tpu.wait_dma2 semaphore(%arg21 : memref<!tpu.dma_semaphore, #tpu.memory_space<semaphore_mem>>) src(%arg11 : memref<8x1024xf32, #tpu.memory_space<vmem>>) dst(%dma_wait3A_169 : memref<8x1024xf32, #tpu.memory_space<hbm>>)
      } else {
      }
      %parallel_loop3A = arith.constant 0 : i32
      %parallel_loop3A_86 = arith.constant 8 : i32
      %parallel_loop3A_87 = arith.constant 1 : i32
      scf.for %parallel_loop3A_156 = %parallel_loop3A to %parallel_loop3A_86 step %parallel_loop3A_87  : i32 {
        %parallel_loop3A_157 = arith.constant 0 : i32
        %parallel_loop3A_158 = arith.constant 1024 : i32
        %parallel_loop3A_159 = arith.constant 16 : i32
        scf.for %parallel_loop3A_160 = %parallel_loop3A_157 to %parallel_loop3A_158 step %parallel_loop3A_159  : i32 {
          %parallel_loop3A_161 = arith.index_cast %parallel_loop3A_156 : i32 to index
          %parallel_loop3A_162 = arith.index_cast %parallel_loop3A_160 : i32 to index
          %parallel_loop3A_163 = tpu.vector_load %arg13[%parallel_loop3A_161, %parallel_loop3A_162] {strides = array<i32>} : memref<8x1024xf32, #tpu.memory_space<vmem>>, vector<1x16xf32>,
          %parallel_loop3A_164 = vector.shape_cast %parallel_loop3A_163 : vector<1x16xf32> to vector<16xf32>
          %parallel_loop3A_165 = arith.index_cast %parallel_loop3A_156 : i32 to index
          %parallel_loop3A_166 = arith.index_cast %parallel_loop3A_160 : i32 to index
          %parallel_loop3A_167 = tpu.vector_load %arg5[%parallel_loop3A_165, %parallel_loop3A_166] {strides = array<i32>} : memref<8x1024xf32, #tpu.memory_space<vmem>>, vector<1x16xf32>,
          %parallel_loop3A_168 = vector.shape_cast %parallel_loop3A_167 : vector<1x16xf32> to vector<16xf32>
          %parallel_loop3A_169 = arith.addf %parallel_loop3A_168, %parallel_loop3A_164 : vector<16xf32>
          %parallel_loop3A_170 = arith.index_cast %parallel_loop3A_156 : i32 to index
          %parallel_loop3A_171 = arith.index_cast %parallel_loop3A_160 : i32 to index
          %parallel_loop3A_172 = tpu.vector_load %arg9[%parallel_loop3A_170, %parallel_loop3A_171] {strides = array<i32>} : memref<8x1024xf32, #tpu.memory_space<vmem>>, vector<1x16xf32>,
          %parallel_loop3A_173 = vector.shape_cast %parallel_loop3A_172 : vector<1x16xf32> to vector<16xf32>
          %parallel_loop3A_174 = vector.shape_cast %parallel_loop3A_169 : vector<16xf32> to vector<1x16xf32>
          tpu.vector_store %arg9[%parallel_loop3A_170, %parallel_loop3A_171], %parallel_loop3A_174 {strides = array<i32>} : memref<8x1024xf32, #tpu.memory_space<vmem>>, vector<1x16xf32>,
          %parallel_loop3A_175 = arith.index_cast %parallel_loop3A_156 : i32 to index
          %parallel_loop3A_176 = arith.index_cast %parallel_loop3A_160 : i32 to index
          %parallel_loop3A_177 = tpu.vector_load %arg7[%parallel_loop3A_175, %parallel_loop3A_176] {strides = array<i32>} : memref<8x1024xf32, #tpu.memory_space<vmem>>, vector<1x16xf32>,
          %parallel_loop3A_178 = vector.shape_cast %parallel_loop3A_177 : vector<1x16xf32> to vector<16xf32>
          %parallel_loop3A_179 = arith.addf %parallel_loop3A_178, %parallel_loop3A_164 : vector<16xf32>
          %parallel_loop3A_180 = arith.index_cast %parallel_loop3A_156 : i32 to index
          %parallel_loop3A_181 = arith.index_cast %parallel_loop3A_160 : i32 to index
          %parallel_loop3A_182 = tpu.vector_load %arg11[%parallel_loop3A_180, %parallel_loop3A_181] {strides = array<i32>} : memref<8x1024xf32, #tpu.memory_space<vmem>>, vector<1x16xf32>,
          %parallel_loop3A_183 = vector.shape_cast %parallel_loop3A_182 : vector<1x16xf32> to vector<16xf32>
          %parallel_loop3A_184 = vector.shape_cast %parallel_loop3A_179 : vector<16xf32> to vector<1x16xf32>
          tpu.vector_store %arg11[%parallel_loop3A_180, %parallel_loop3A_181], %parallel_loop3A_184 {strides = array<i32>} : memref<8x1024xf32, #tpu.memory_space<vmem>>, vector<1x16xf32>,
        } {sc.loop_unroll_factor = 8 : i64, sc.parallel_access}
      } {sc.loop_unroll_factor = 1 : i64, sc.parallel_access}
      %mul3A_88 = arith.constant 8 : i32
      %mul3A_89 = arith.muli %add3A_66, %mul3A_88 : i32
      %add3A_90 = arith.addi %mul3A_2, %mul3A_89 : i32
      %add3A_91 = arith.constant 8192 : i32
      %add3A_92 = arith.addi %add3A_91, %add3A_90 : i32
      %dma_start3A_93 = arith.constant 0 : i32
      %dma_start3A_94 = tpu.memref_slice %arg4[%add3A_90, %dma_start3A_93] : memref<16384x1024xf32, #tpu.memory_space<hbm>> -> memref<8x1024xf32, #tpu.memory_space<hbm>>
      %dma_start3A_95 = arith.constant 0 : i32
      %dma_start3A_96 = tpu.memref_slice %arg4[%add3A_90, %dma_start3A_95] : memref<16384x1024xf32, #tpu.memory_space<hbm>> -> memref<8x1024xf32, #tpu.memory_space<hbm>>
      tpu.enqueue_dma source(%arg9 : memref<8x1024xf32, #tpu.memory_space<vmem>>) target(%dma_start3A_96 : memref<8x1024xf32, #tpu.memory_space<hbm>>) target_semaphore(%arg19 : memref<!tpu.dma_semaphore, #tpu.memory_space<semaphore_mem>>)
      %dma_start3A_97 = arith.constant 0 : i32
      %dma_start3A_98 = tpu.memref_slice %arg4[%add3A_92, %dma_start3A_97] : memref<16384x1024xf32, #tpu.memory_space<hbm>> -> memref<8x1024xf32, #tpu.memory_space<hbm>>
      %dma_start3A_99 = arith.constant 0 : i32
      %dma_start3A_100 = tpu.memref_slice %arg4[%add3A_92, %dma_start3A_99] : memref<16384x1024xf32, #tpu.memory_space<hbm>> -> memref<8x1024xf32, #tpu.memory_space<hbm>>
      tpu.enqueue_dma source(%arg11 : memref<8x1024xf32, #tpu.memory_space<vmem>>) target(%dma_start3A_100 : memref<8x1024xf32, #tpu.memory_space<hbm>>) target_semaphore(%arg21 : memref<!tpu.dma_semaphore, #tpu.memory_space<semaphore_mem>>)
      %add3A_101 = arith.constant 2 : i32
      %add3A_102 = arith.addi %add3A_66, %add3A_101 : i32
      %lt3A = arith.constant 32 : i32
      %lt3A_103 = arith.cmpi slt, %add3A_102, %lt3A : i32
      %convert_element_type3A_104 = arith.extui %lt3A_103 : i1 to i32
      %cond3A_105 = arith.constant 0 : i32
      %cond3A_106 = arith.cmpi ne, %convert_element_type3A_104, %cond3A_105 : i32
      scf.if %cond3A_106 {
        %add3A_156 = arith.constant 2 : i32
        %add3A_157 = arith.addi %add3A_66, %add3A_156 : i32
        %mul3A_158 = arith.constant 8 : i32
        %mul3A_159 = arith.muli %add3A_157, %mul3A_158 : i32
        %add3A_160 = arith.addi %mul3A_2, %mul3A_159 : i32
        %add3A_161 = arith.constant 8192 : i32
        %add3A_162 = arith.addi %add3A_161, %add3A_160 : i32
        %dma_start3A_163 = arith.constant 0 : i32
        %dma_start3A_164 = tpu.memref_slice %arg3[%add3A_160, %dma_start3A_163] : memref<8192x1024xf32, #tpu.memory_space<hbm>> -> memref<8x1024xf32, #tpu.memory_space<hbm>>
        %dma_start3A_165 = arith.constant 0 : i32
        %dma_start3A_166 = tpu.memref_slice %arg3[%add3A_160, %dma_start3A_165] : memref<8192x1024xf32, #tpu.memory_space<hbm>> -> memref<8x1024xf32, #tpu.memory_space<hbm>>
        tpu.enqueue_dma source(%dma_start3A_166 : memref<8x1024xf32, #tpu.memory_space<hbm>>) target(%arg13 : memref<8x1024xf32, #tpu.memory_space<vmem>>) target_semaphore(%arg23 : memref<!tpu.dma_semaphore, #tpu.memory_space<semaphore_mem>>)
        %dma_start3A_167 = arith.constant 0 : i32
        %dma_start3A_168 = tpu.memref_slice %arg2[%add3A_160, %dma_start3A_167] : memref<16384x1024xf32, #tpu.memory_space<hbm>> -> memref<8x1024xf32, #tpu.memory_space<hbm>>
        %dma_start3A_169 = arith.constant 0 : i32
        %dma_start3A_170 = tpu.memref_slice %arg2[%add3A_160, %dma_start3A_169] : memref<16384x1024xf32, #tpu.memory_space<hbm>> -> memref<8x1024xf32, #tpu.memory_space<hbm>>
        tpu.enqueue_dma source(%dma_start3A_170 : memref<8x1024xf32, #tpu.memory_space<hbm>>) target(%arg5 : memref<8x1024xf32, #tpu.memory_space<vmem>>) target_semaphore(%arg15 : memref<!tpu.dma_semaphore, #tpu.memory_space<semaphore_mem>>)
        %dma_start3A_171 = arith.constant 0 : i32
        %dma_start3A_172 = tpu.memref_slice %arg2[%add3A_162, %dma_start3A_171] : memref<16384x1024xf32, #tpu.memory_space<hbm>> -> memref<8x1024xf32, #tpu.memory_space<hbm>>
        %dma_start3A_173 = arith.constant 0 : i32
        %dma_start3A_174 = tpu.memref_slice %arg2[%add3A_162, %dma_start3A_173] : memref<16384x1024xf32, #tpu.memory_space<hbm>> -> memref<8x1024xf32, #tpu.memory_space<hbm>>
        tpu.enqueue_dma source(%dma_start3A_174 : memref<8x1024xf32, #tpu.memory_space<hbm>>) target(%arg7 : memref<8x1024xf32, #tpu.memory_space<vmem>>) target_semaphore(%arg17 : memref<!tpu.dma_semaphore, #tpu.memory_space<semaphore_mem>>)
      } else {
      }
      %mul3A_107 = arith.constant 2 : i32
      %mul3A_108 = arith.muli %mul3A_107, %scan3A_62 : i32
      %add3A_109 = arith.constant 1 : i32
      %add3A_110 = arith.addi %mul3A_108, %add3A_109 : i32
      %mul3A_111 = arith.constant 8 : i32
      %mul3A_112 = arith.muli %add3A_110, %mul3A_111 : i32
      %add3A_113 = arith.addi %mul3A_2, %mul3A_112 : i32
      %add3A_114 = arith.constant 8192 : i32
      %add3A_115 = arith.addi %add3A_114, %add3A_113 : i32
      %dma_wait3A_116 = arith.constant 0 : i32
      %dma_wait3A_117 = tpu.memref_slice %arg3[%add3A_113, %dma_wait3A_116] : memref<8192x1024xf32, #tpu.memory_space<hbm>> -> memref<8x1024xf32, #tpu.memory_space<hbm>>
      %dma_wait3A_118 = arith.constant 0 : i32
      %dma_wait3A_119 = tpu.memref_slice %arg3[%add3A_113, %dma_wait3A_118] : memref<8192x1024xf32, #tpu.memory_space<hbm>> -> memref<8x1024xf32, #tpu.memory_space<hbm>>
      tpu.wait_dma2 semaphore(%arg24 : memref<!tpu.dma_semaphore, #tpu.memory_space<semaphore_mem>>) src(%dma_wait3A_119 : memref<8x1024xf32, #tpu.memory_space<hbm>>) dst(%arg14 : memref<8x1024xf32, #tpu.memory_space<vmem>>)
      %dma_wait3A_120 = arith.constant 0 : i32
      %dma_wait3A_121 = tpu.memref_slice %arg2[%add3A_113, %dma_wait3A_120] : memref<16384x1024xf32, #tpu.memory_space<hbm>> -> memref<8x1024xf32, #tpu.memory_space<hbm>>
      %dma_wait3A_122 = arith.constant 0 : i32
      %dma_wait3A_123 = tpu.memref_slice %arg2[%add3A_113, %dma_wait3A_122] : memref<16384x1024xf32, #tpu.memory_space<hbm>> -> memref<8x1024xf32, #tpu.memory_space<hbm>>
      tpu.wait_dma2 semaphore(%arg16 : memref<!tpu.dma_semaphore, #tpu.memory_space<semaphore_mem>>) src(%dma_wait3A_123 : memref<8x1024xf32, #tpu.memory_space<hbm>>) dst(%arg6 : memref<8x1024xf32, #tpu.memory_space<vmem>>)
      %dma_wait3A_124 = arith.constant 0 : i32
      %dma_wait3A_125 = tpu.memref_slice %arg2[%add3A_115, %dma_wait3A_124] : memref<16384x1024xf32, #tpu.memory_space<hbm>> -> memref<8x1024xf32, #tpu.memory_space<hbm>>
      %dma_wait3A_126 = arith.constant 0 : i32
      %dma_wait3A_127 = tpu.memref_slice %arg2[%add3A_115, %dma_wait3A_126] : memref<16384x1024xf32, #tpu.memory_space<hbm>> -> memref<8x1024xf32, #tpu.memory_space<hbm>>
      tpu.wait_dma2 semaphore(%arg18 : memref<!tpu.dma_semaphore, #tpu.memory_space<semaphore_mem>>) src(%dma_wait3A_127 : memref<8x1024xf32, #tpu.memory_space<hbm>>) dst(%arg8 : memref<8x1024xf32, #tpu.memory_space<vmem>>)
      %ge3A_128 = arith.constant 2 : i32
      %ge3A_129 = arith.cmpi sge, %add3A_110, %ge3A_128 : i32
      %convert_element_type3A_130 = arith.extui %ge3A_129 : i1 to i32
      %cond3A_131 = arith.constant 0 : i32
      %cond3A_132 = arith.cmpi ne, %convert_element_type3A_130, %cond3A_131 : i32
      scf.if %cond3A_132 {
        %sub3A = arith.constant 2 : i32
        %sub3A_156 = arith.subi %add3A_110, %sub3A : i32
        %mul3A_157 = arith.constant 8 : i32
        %mul3A_158 = arith.muli %sub3A_156, %mul3A_157 : i32
        %add3A_159 = arith.addi %mul3A_2, %mul3A_158 : i32
        %add3A_160 = arith.constant 8192 : i32
        %add3A_161 = arith.addi %add3A_160, %add3A_159 : i32
        %dma_wait3A_162 = arith.constant 0 : i32
        %dma_wait3A_163 = tpu.memref_slice %arg4[%add3A_159, %dma_wait3A_162] : memref<16384x1024xf32, #tpu.memory_space<hbm>> -> memref<8x1024xf32, #tpu.memory_space<hbm>>
        %dma_wait3A_164 = arith.constant 0 : i32
        %dma_wait3A_165 = tpu.memref_slice %arg4[%add3A_159, %dma_wait3A_164] : memref<16384x1024xf32, #tpu.memory_space<hbm>> -> memref<8x1024xf32, #tpu.memory_space<hbm>>
        tpu.wait_dma2 semaphore(%arg20 : memref<!tpu.dma_semaphore, #tpu.memory_space<semaphore_mem>>) src(%arg10 : memref<8x1024xf32, #tpu.memory_space<vmem>>) dst(%dma_wait3A_165 : memref<8x1024xf32, #tpu.memory_space<hbm>>)
        %dma_wait3A_166 = arith.constant 0 : i32
        %dma_wait3A_167 = tpu.memref_slice %arg4[%add3A_161, %dma_wait3A_166] : memref<16384x1024xf32, #tpu.memory_space<hbm>> -> memref<8x1024xf32, #tpu.memory_space<hbm>>
        %dma_wait3A_168 = arith.constant 0 : i32
        %dma_wait3A_169 = tpu.memref_slice %arg4[%add3A_161, %dma_wait3A_168] : memref<16384x1024xf32, #tpu.memory_space<hbm>> -> memref<8x1024xf32, #tpu.memory_space<hbm>>
        tpu.wait_dma2 semaphore(%arg22 : memref<!tpu.dma_semaphore, #tpu.memory_space<semaphore_mem>>) src(%arg12 : memref<8x1024xf32, #tpu.memory_space<vmem>>) dst(%dma_wait3A_169 : memref<8x1024xf32, #tpu.memory_space<hbm>>)
      } else {
      }
      %parallel_loop3A_133 = arith.constant 0 : i32
      %parallel_loop3A_134 = arith.constant 8 : i32
      %parallel_loop3A_135 = arith.constant 1 : i32
      scf.for %parallel_loop3A_156 = %parallel_loop3A_133 to %parallel_loop3A_134 step %parallel_loop3A_135  : i32 {
        %parallel_loop3A_157 = arith.constant 0 : i32
        %parallel_loop3A_158 = arith.constant 1024 : i32
        %parallel_loop3A_159 = arith.constant 16 : i32
        scf.for %parallel_loop3A_160 = %parallel_loop3A_157 to %parallel_loop3A_158 step %parallel_loop3A_159  : i32 {
          %parallel_loop3A_161 = arith.index_cast %parallel_loop3A_156 : i32 to index
          %parallel_loop3A_162 = arith.index_cast %parallel_loop3A_160 : i32 to index
          %parallel_loop3A_163 = tpu.vector_load %arg14[%parallel_loop3A_161, %parallel_loop3A_162] {strides = array<i32>} : memref<8x1024xf32, #tpu.memory_space<vmem>>, vector<1x16xf32>,
          %parallel_loop3A_164 = vector.shape_cast %parallel_loop3A_163 : vector<1x16xf32> to vector<16xf32>
          %parallel_loop3A_165 = arith.index_cast %parallel_loop3A_156 : i32 to index
          %parallel_loop3A_166 = arith.index_cast %parallel_loop3A_160 : i32 to index
          %parallel_loop3A_167 = tpu.vector_load %arg6[%parallel_loop3A_165, %parallel_loop3A_166] {strides = array<i32>} : memref<8x1024xf32, #tpu.memory_space<vmem>>, vector<1x16xf32>,
          %parallel_loop3A_168 = vector.shape_cast %parallel_loop3A_167 : vector<1x16xf32> to vector<16xf32>
          %parallel_loop3A_169 = arith.addf %parallel_loop3A_168, %parallel_loop3A_164 : vector<16xf32>
          %parallel_loop3A_170 = arith.index_cast %parallel_loop3A_156 : i32 to index
          %parallel_loop3A_171 = arith.index_cast %parallel_loop3A_160 : i32 to index
          %parallel_loop3A_172 = tpu.vector_load %arg10[%parallel_loop3A_170, %parallel_loop3A_171] {strides = array<i32>} : memref<8x1024xf32, #tpu.memory_space<vmem>>, vector<1x16xf32>,
          %parallel_loop3A_173 = vector.shape_cast %parallel_loop3A_172 : vector<1x16xf32> to vector<16xf32>
          %parallel_loop3A_174 = vector.shape_cast %parallel_loop3A_169 : vector<16xf32> to vector<1x16xf32>
          tpu.vector_store %arg10[%parallel_loop3A_170, %parallel_loop3A_171], %parallel_loop3A_174 {strides = array<i32>} : memref<8x1024xf32, #tpu.memory_space<vmem>>, vector<1x16xf32>,
          %parallel_loop3A_175 = arith.index_cast %parallel_loop3A_156 : i32 to index
          %parallel_loop3A_176 = arith.index_cast %parallel_loop3A_160 : i32 to index
          %parallel_loop3A_177 = tpu.vector_load %arg8[%parallel_loop3A_175, %parallel_loop3A_176] {strides = array<i32>} : memref<8x1024xf32, #tpu.memory_space<vmem>>, vector<1x16xf32>,
          %parallel_loop3A_178 = vector.shape_cast %parallel_loop3A_177 : vector<1x16xf32> to vector<16xf32>
          %parallel_loop3A_179 = arith.addf %parallel_loop3A_178, %parallel_loop3A_164 : vector<16xf32>
          %parallel_loop3A_180 = arith.index_cast %parallel_loop3A_156 : i32 to index
          %parallel_loop3A_181 = arith.index_cast %parallel_loop3A_160 : i32 to index
          %parallel_loop3A_182 = tpu.vector_load %arg12[%parallel_loop3A_180, %parallel_loop3A_181] {strides = array<i32>} : memref<8x1024xf32, #tpu.memory_space<vmem>>, vector<1x16xf32>,
          %parallel_loop3A_183 = vector.shape_cast %parallel_loop3A_182 : vector<1x16xf32> to vector<16xf32>
          %parallel_loop3A_184 = vector.shape_cast %parallel_loop3A_179 : vector<16xf32> to vector<1x16xf32>
          tpu.vector_store %arg12[%parallel_loop3A_180, %parallel_loop3A_181], %parallel_loop3A_184 {strides = array<i32>} : memref<8x1024xf32, #tpu.memory_space<vmem>>, vector<1x16xf32>,
        } {sc.loop_unroll_factor = 8 : i64, sc.parallel_access}
      } {sc.loop_unroll_factor = 1 : i64, sc.parallel_access}
      %mul3A_136 = arith.constant 8 : i32
      %mul3A_137 = arith.muli %add3A_110, %mul3A_136 : i32
      %add3A_138 = arith.addi %mul3A_2, %mul3A_137 : i32
      %add3A_139 = arith.constant 8192 : i32
      %add3A_140 = arith.addi %add3A_139, %add3A_138 : i32
      %dma_start3A_141 = arith.constant 0 : i32
      %dma_start3A_142 = tpu.memref_slice %arg4[%add3A_138, %dma_start3A_141] : memref<16384x1024xf32, #tpu.memory_space<hbm>> -> memref<8x1024xf32, #tpu.memory_space<hbm>>
      %dma_start3A_143 = arith.constant 0 : i32
      %dma_start3A_144 = tpu.memref_slice %arg4[%add3A_138, %dma_start3A_143] : memref<16384x1024xf32, #tpu.memory_space<hbm>> -> memref<8x1024xf32, #tpu.memory_space<hbm>>
      tpu.enqueue_dma source(%arg10 : memref<8x1024xf32, #tpu.memory_space<vmem>>) target(%dma_start3A_144 : memref<8x1024xf32, #tpu.memory_space<hbm>>) target_semaphore(%arg20 : memref<!tpu.dma_semaphore, #tpu.memory_space<semaphore_mem>>)
      %dma_start3A_145 = arith.constant 0 : i32
      %dma_start3A_146 = tpu.memref_slice %arg4[%add3A_140, %dma_start3A_145] : memref<16384x1024xf32, #tpu.memory_space<hbm>> -> memref<8x1024xf32, #tpu.memory_space<hbm>>
      %dma_start3A_147 = arith.constant 0 : i32
      %dma_start3A_148 = tpu.memref_slice %arg4[%add3A_140, %dma_start3A_147] : memref<16384x1024xf32, #tpu.memory_space<hbm>> -> memref<8x1024xf32, #tpu.memory_space<hbm>>
      tpu.enqueue_dma source(%arg12 : memref<8x1024xf32, #tpu.memory_space<vmem>>) target(%dma_start3A_148 : memref<8x1024xf32, #tpu.memory_space<hbm>>) target_semaphore(%arg22 : memref<!tpu.dma_semaphore, #tpu.memory_space<semaphore_mem>>)
      %add3A_149 = arith.constant 2 : i32
      %add3A_150 = arith.addi %add3A_110, %add3A_149 : i32
      %lt3A_151 = arith.constant 32 : i32
      %lt3A_152 = arith.cmpi slt, %add3A_150, %lt3A_151 : i32
      %convert_element_type3A_153 = arith.extui %lt3A_152 : i1 to i32
      %cond3A_154 = arith.constant 0 : i32
      %cond3A_155 = arith.cmpi ne, %convert_element_type3A_153, %cond3A_154 : i32
      scf.if %cond3A_155 {
        %add3A_156 = arith.constant 2 : i32
        %add3A_157 = arith.addi %add3A_110, %add3A_156 : i32
        %mul3A_158 = arith.constant 8 : i32
        %mul3A_159 = arith.muli %add3A_157, %mul3A_158 : i32
        %add3A_160 = arith.addi %mul3A_2, %mul3A_159 : i32
        %add3A_161 = arith.constant 8192 : i32
        %add3A_162 = arith.addi %add3A_161, %add3A_160 : i32
        %dma_start3A_163 = arith.constant 0 : i32
        %dma_start3A_164 = tpu.memref_slice %arg3[%add3A_160, %dma_start3A_163] : memref<8192x1024xf32, #tpu.memory_space<hbm>> -> memref<8x1024xf32, #tpu.memory_space<hbm>>
        %dma_start3A_165 = arith.constant 0 : i32
        %dma_start3A_166 = tpu.memref_slice %arg3[%add3A_160, %dma_start3A_165] : memref<8192x1024xf32, #tpu.memory_space<hbm>> -> memref<8x1024xf32, #tpu.memory_space<hbm>>
        tpu.enqueue_dma source(%dma_start3A_166 : memref<8x1024xf32, #tpu.memory_space<hbm>>) target(%arg14 : memref<8x1024xf32, #tpu.memory_space<vmem>>) target_semaphore(%arg24 : memref<!tpu.dma_semaphore, #tpu.memory_space<semaphore_mem>>)
        %dma_start3A_167 = arith.constant 0 : i32
        %dma_start3A_168 = tpu.memref_slice %arg2[%add3A_160, %dma_start3A_167] : memref<16384x1024xf32, #tpu.memory_space<hbm>> -> memref<8x1024xf32, #tpu.memory_space<hbm>>
        %dma_start3A_169 = arith.constant 0 : i32
        %dma_start3A_170 = tpu.memref_slice %arg2[%add3A_160, %dma_start3A_169] : memref<16384x1024xf32, #tpu.memory_space<hbm>> -> memref<8x1024xf32, #tpu.memory_space<hbm>>
        tpu.enqueue_dma source(%dma_start3A_170 : memref<8x1024xf32, #tpu.memory_space<hbm>>) target(%arg6 : memref<8x1024xf32, #tpu.memory_space<vmem>>) target_semaphore(%arg16 : memref<!tpu.dma_semaphore, #tpu.memory_space<semaphore_mem>>)
        %dma_start3A_171 = arith.constant 0 : i32
        %dma_start3A_172 = tpu.memref_slice %arg2[%add3A_162, %dma_start3A_171] : memref<16384x1024xf32, #tpu.memory_space<hbm>> -> memref<8x1024xf32, #tpu.memory_space<hbm>>
        %dma_start3A_173 = arith.constant 0 : i32
        %dma_start3A_174 = tpu.memref_slice %arg2[%add3A_162, %dma_start3A_173] : memref<16384x1024xf32, #tpu.memory_space<hbm>> -> memref<8x1024xf32, #tpu.memory_space<hbm>>
        tpu.enqueue_dma source(%dma_start3A_174 : memref<8x1024xf32, #tpu.memory_space<hbm>>) target(%arg8 : memref<8x1024xf32, #tpu.memory_space<vmem>>) target_semaphore(%arg18 : memref<!tpu.dma_semaphore, #tpu.memory_space<semaphore_mem>>)
      } else {
      }
    }
    %scan3A_38 = arith.constant 16 : i32
    %add3A_39 = arith.constant 240 : i32
    %add3A_40 = arith.addi %mul3A_2, %add3A_39 : i32
    %add3A_41 = arith.constant 8192 : i32
    %add3A_42 = arith.addi %add3A_41, %add3A_40 : i32
    %dma_wait3A = arith.constant 0 : i32
    %dma_wait3A_43 = tpu.memref_slice %arg4[%add3A_40, %dma_wait3A] : memref<16384x1024xf32, #tpu.memory_space<hbm>> -> memref<8x1024xf32, #tpu.memory_space<hbm>>
    %dma_wait3A_44 = arith.constant 0 : i32
    %dma_wait3A_45 = tpu.memref_slice %arg4[%add3A_40, %dma_wait3A_44] : memref<16384x1024xf32, #tpu.memory_space<hbm>> -> memref<8x1024xf32, #tpu.memory_space<hbm>>
    tpu.wait_dma2 semaphore(%arg19 : memref<!tpu.dma_semaphore, #tpu.memory_space<semaphore_mem>>) src(%arg9 : memref<8x1024xf32, #tpu.memory_space<vmem>>) dst(%dma_wait3A_45 : memref<8x1024xf32, #tpu.memory_space<hbm>>)
    %dma_wait3A_46 = arith.constant 0 : i32
    %dma_wait3A_47 = tpu.memref_slice %arg4[%add3A_42, %dma_wait3A_46] : memref<16384x1024xf32, #tpu.memory_space<hbm>> -> memref<8x1024xf32, #tpu.memory_space<hbm>>
    %dma_wait3A_48 = arith.constant 0 : i32
    %dma_wait3A_49 = tpu.memref_slice %arg4[%add3A_42, %dma_wait3A_48] : memref<16384x1024xf32, #tpu.memory_space<hbm>> -> memref<8x1024xf32, #tpu.memory_space<hbm>>
    tpu.wait_dma2 semaphore(%arg21 : memref<!tpu.dma_semaphore, #tpu.memory_space<semaphore_mem>>) src(%arg11 : memref<8x1024xf32, #tpu.memory_space<vmem>>) dst(%dma_wait3A_49 : memref<8x1024xf32, #tpu.memory_space<hbm>>)
    %add3A_50 = arith.constant 248 : i32
    %add3A_51 = arith.addi %mul3A_2, %add3A_50 : i32
    %add3A_52 = arith.constant 8192 : i32
    %add3A_53 = arith.addi %add3A_52, %add3A_51 : i32
    %dma_wait3A_54 = arith.constant 0 : i32
    %dma_wait3A_55 = tpu.memref_slice %arg4[%add3A_51, %dma_wait3A_54] : memref<16384x1024xf32, #tpu.memory_space<hbm>> -> memref<8x1024xf32, #tpu.memory_space<hbm>>
    %dma_wait3A_56 = arith.constant 0 : i32
    %dma_wait3A_57 = tpu.memref_slice %arg4[%add3A_51, %dma_wait3A_56] : memref<16384x1024xf32, #tpu.memory_space<hbm>> -> memref<8x1024xf32, #tpu.memory_space<hbm>>
    tpu.wait_dma2 semaphore(%arg20 : memref<!tpu.dma_semaphore, #tpu.memory_space<semaphore_mem>>) src(%arg10 : memref<8x1024xf32, #tpu.memory_space<vmem>>) dst(%dma_wait3A_57 : memref<8x1024xf32, #tpu.memory_space<hbm>>)
    %dma_wait3A_58 = arith.constant 0 : i32
    %dma_wait3A_59 = tpu.memref_slice %arg4[%add3A_53, %dma_wait3A_58] : memref<16384x1024xf32, #tpu.memory_space<hbm>> -> memref<8x1024xf32, #tpu.memory_space<hbm>>
    %dma_wait3A_60 = arith.constant 0 : i32
    %dma_wait3A_61 = tpu.memref_slice %arg4[%add3A_53, %dma_wait3A_60] : memref<16384x1024xf32, #tpu.memory_space<hbm>> -> memref<8x1024xf32, #tpu.memory_space<hbm>>
    tpu.wait_dma2 semaphore(%arg22 : memref<!tpu.dma_semaphore, #tpu.memory_space<semaphore_mem>>) src(%arg12 : memref<8x1024xf32, #tpu.memory_space<vmem>>) dst(%dma_wait3A_61 : memref<8x1024xf32, #tpu.memory_space<hbm>>)
    return
  }
}

</mosaic_0001>

<sc_bundles>
// kernel: kernel.3.cloned.1.call-start
scs
__scs_entry_jumppad:
0x0: {  	(pc) =	sbr.rel $0x88, $3  }
0x1: {  	(tag) =	ssettag $0x0;
	lr =	simm.s32 $0x1  }
0x2: {  	[smem:$0x3F9F] =	sst lr;
	_ =	strace $0xD0000000  }
0x3: {  	_ = 	snop  }
0x4: {  	_ = 	snop  }
0x5: {  	_ = 	snop  }
0x6: {  	_ = 	snop  }
0x7: {  	_ = 	snop  }
__scs_overlays_trampoline_lowered:
0x8: {  	[smem:$0x3FAE] =	sst s0  }
0x9: {  	[smem:$0x3FAF] =	sst s1  }
0xa: {  	[smem:$0x3FB0] =	sst s2  }
0xb: {  	[smem:$0x3FB1] =	sst s3  }
0xc: {  	[smem:$0x3FB2] =	sst s4  }
0xd: {  	[smem:$0x3FB3] =	sst s5  }
0xe: {  	[smem:$0x3FB4] =	sst s6  }
0xf: {  	[smem:$0x3FB5] =	sst s7  }
0x10: {  	[smem:$0x3FB6] =	sst s8  }
0x11: {  	[smem:$0x3FB7] =	sst s9;
	s0 =	simm.s32 @!p0 $0x0  }
0x12: {  	s1 =	sld [smem:$0x3F9D];
	s0 =	simm.s32 @p0 $0x1  }
0x13: {  	[smem:$0x3FB8] =	sst s0;
	s0 =	simm.s32 @!p1 $0x0  }
0x14: {  	s2 =	sld [smem:$0x3F9C];
	s0 =	simm.s32 @p1 $0x1  }
0x15: {  	[smem:$0x3FB9] =	sst s0;
	s0 =	simm.s32 @!p2 $0x0  }
0x16: {  	s3 =	sld [smem:$0x3FDB];
	s0 =	simm.s32 @p2 $0x1  }
0x17: {  	s4 =	simm.s32 $0x1BF5;
	[smem:$0x3FBB] =	sst s0  }
0x18: {  	s0 =	sld [smem:$0x3F9E];
	_ =	swait.ge [sflag:s4], $0x0  }
0x19: {  	s7 =	sld [smem:$0x3F9F]  }
0x1a: {  	s8 =	sadd.s32 $0xFFFFE003, lr  }
0x1b: {  	s9 =	sadd.s32 $0xFFFFFEF7, lr;
	s5 =	simm.s32 $0xFFFFFFFF;
	p2 =	slt.u32 s8, $0xFFFFF086  }
0x1c: {  	p1 =	slt.u32 s9, $0xF7A;
	s5 =	simm.s32 @!p2 $0x0  }
0x1d: {  	s5 =	simm.s32 @p1 $0x1;
	p0 =	seq.s32 s7, s2  }
0x1e: {  	s7 =	smul.u32 @!p0 $0xF7A, s2;
	p2 =	seq.s32 @!p0 s5, $0x0  }
0x1f: {  	s9 =	smul.u32 $0xF7A, s1;
	s8 =	simm.s32 @!p0 $0x1BF5;
	p2 =	por !p2, p0  }
0x20: {  	[sflag:s8] =	ssyncset.s32 @!p0 $0xFFFFF086;
	s6 =	sadd.s32 @!p0 s3, s7;
	s7 =	simm.s32 @!p0 $0x108  }
0x21: {  	s3 =	sadd.s32 s3, s9;
	s6 =	sadd.s32 @!p0 $0x88, s6;
	s7 =	simm.s32 @p2 $0x1082  }
0x22: {  	[simem:s7], [sflag:s8] =	dma.local @!p0 [hbm:s6], $0xF7A  }
0x23: {  	s9 =	sor.u32 $0xD0000000, s2;
	s6 =	simm.s32 $0x108;
	_ =	swait.ge @!p0 [sflag:s8], $0x0  }
0x24: {  	s3 =	sadd.s32 $0x88, s3;
	s6 =	simm.s32 @!p1 $0x1082;
	[sflag:s4] =	ssyncset.s32 $0xFFFFF086  }
0x25: {  	[simem:s6], [sflag:s4] =	dma.local [hbm:s3], $0xF7A  }
0x26: {  	[smem:$0x3F9F] =	sst s1;
	(tag) =	ssettag s2;
	_ =	strace s9  }
0x27: {  	s1 =	sld [smem:$0x3FAF]  }
0x28: {  	s2 =	sld [smem:$0x3FB0]  }
0x29: {  	s4 =	sld [smem:$0x3FB2]  }
0x2a: {  	p0 =	seq.s32 s5, $0x0;
	s5 =	sld [smem:$0x3FB3]  }
0x2b: {  	s6 =	sld [smem:$0x3FB4]  }
0x2c: {  	s7 =	sld [smem:$0x3FB5]  }
0x2d: {  	s3 =	simm.s32 $0x108;
	s8 =	sld [smem:$0x3FB6]  }
0x2e: {  	s3 =	simm.s32 @!p0 $0x1082;
	s9 =	sld [smem:$0x3FB7]  }
0x2f: {  	lr =	sadd.s32 s0, s3;
	s0 =	sld [smem:$0x3FAE]  }
0x30: {  	s3 =	sld [smem:$0x3FB1]  }
0x31: {  	[smem:$0x3FBA] =	sst s10  }
0x32: {  	s10 =	sld [smem:$0x3FB8];
	_ =	sdelay $0x3  }
0x33: {  	p0 =	seq.s32 s10, $0x1;
	s10 =	sld [smem:$0x3FBA];
	_ =	sdelay $0x3  }
0x34: {  	[smem:$0x3FBA] =	sst s10  }
0x35: {  	s10 =	sld [smem:$0x3FB9];
	_ =	sdelay $0x3  }
0x36: {  	p1 =	seq.s32 s10, $0x1;
	s10 =	sld [smem:$0x3FBA];
	_ =	sdelay $0x3  }
0x37: {  	[smem:$0x3FBA] =	sst s10  }
0x38: {  	s10 =	sld [smem:$0x3FBB]  }
0x39: {  	_ = 	snop;
	(pc) =	sbr.ind lr, $3  }
0x3a: {  	_ = 	snop  }
0x3b: {  	_ = 	snop  }
0x3c: {  	p2 =	seq.s32 s10, $0x1;
	s10 =	sld [smem:$0x3FBA]  }
0x3d: {  	_ =	shalt  }
0x3e: {  	_ =	shalt  }
0x3f: {  	_ =	shalt  }
0x40: {  	_ =	shalt  }
0x41: {  	_ =	shalt  }
0x42: {  	_ =	shalt  }
0x43: {  	_ =	shalt  }
0x44: {  	_ =	shalt  }
0x45: {  	_ =	shalt  }
0x46: {  	_ =	shalt  }
0x47: {  	_ =	shalt  }
0x48: {  	_ =	shalt  }
0x49: {  	_ =	shalt  }
0x4a: {  	_ =	shalt  }
0x4b: {  	_ =	shalt  }
0x4c: {  	_ =	shalt  }
0x4d: {  	_ =	shalt  }
0x4e: {  	_ =	shalt  }
0x4f: {  	_ =	shalt  }
0x50: {  	_ =	shalt  }
0x51: {  	_ =	shalt  }
0x52: {  	_ =	shalt  }
0x53: {  	_ =	shalt  }
0x54: {  	_ =	shalt  }
0x55: {  	_ =	shalt  }
0x56: {  	_ =	shalt  }
0x57: {  	_ =	shalt  }
0x58: {  	_ =	shalt  }
0x59: {  	_ =	shalt  }
0x5a: {  	_ =	shalt  }
0x5b: {  	_ =	shalt  }
0x5c: {  	_ =	shalt  }
0x5d: {  	_ =	shalt  }
0x5e: {  	_ =	shalt  }
0x5f: {  	_ =	shalt  }
0x60: {  	_ =	shalt  }
0x61: {  	_ =	shalt  }
0x62: {  	_ =	shalt  }
0x63: {  	_ =	shalt  }
0x64: {  	_ =	shalt  }
0x65: {  	_ =	shalt  }
0x66: {  	_ =	shalt  }
0x67: {  	_ =	shalt  }
0x68: {  	_ =	shalt  }
0x69: {  	_ =	shalt  }
0x6a: {  	_ =	shalt  }
0x6b: {  	_ =	shalt  }
0x6c: {  	_ =	shalt  }
0x6d: {  	_ =	shalt  }
0x6e: {  	_ =	shalt  }
0x6f: {  	_ =	shalt  }
0x70: {  	_ =	shalt  }
0x71: {  	_ =	shalt  }
0x72: {  	_ =	shalt  }
0x73: {  	_ =	shalt  }
0x74: {  	_ =	shalt  }
0x75: {  	_ =	shalt  }
0x76: {  	_ =	shalt  }
0x77: {  	_ =	shalt  }
0x78: {  	_ =	shalt  }
0x79: {  	_ =	shalt  }
0x7a: {  	_ =	shalt  }
0x7b: {  	_ =	shalt  }
0x7c: {  	_ =	shalt  }
0x7d: {  	_ =	shalt  }
0x7e: {  	_ =	shalt  }
0x7f: {  	_ =	shalt  }
0x80: {  	_ =	shalt  }
0x81: {  	_ =	shalt  }
0x82: {  	_ =	shalt  }
0x83: {  	_ =	shalt  }
0x84: {  	_ =	shalt  }
0x85: {  	_ =	shalt  }
0x86: {  	_ =	shalt  }
0x87: {  	_ =	shalt  }
.Lfunc_end0:
.L_simem_size_0:
called_computation_lowered:
.L_overlay_start_0:
0x88: {  	s2 =	sld [smem:$0x3FD9]  }
0x89: {  	s3 =	sld [smem:$0x3FFE];
	_ =	sdelay $0x1  }
0x8a: {  	s1 =	srdreg.scid  }
0x8b: {  	s0 =	sand.u32 $0x1, s1  }
0x8c: {  	s18 =	sshll.u32 s0, $0xA;
	s2 =	sadd.s32 s3, s2  }
0x8d: {  	s2 =	sadd.s32 s2, s18  }
0x8e: {  	[smem:$0x3FC6] =	sst s2  }
0x8f: {  	_ = 	snop  }
0x90: {  	s2 =	sld [smem:$0x3FC9]  }
0x91: {  	s19 =	sld [smem:$0x3FC8]  }
0x92: {  	s4 =	sld [smem:$0x3FD0];
	(tm) =	ssettm $0x1  }
0x93: {  	s5 =	sld [smem:$0x3FFB];
	_ =	sdelay $0x3  }
0x94: {  	_ =	strace s5  }
0x95: {  	s5 =	sld [smem:$0x3FFC];
	_ =	sdelay $0x3  }
0x96: {  	_ =	strace s5  }
0x97: {  	s5 =	sld [smem:$0x3FFD];
	_ =	sdelay $0x3  }
0x98: {  	_ =	strace s5  }
0x99: {  	_ =	strace $0x8FFFFFFF  }
0x9a: {  	s20 =	sld [smem:$0x3FDB];
	_ =	sdelay $0x1  }
0x9b: {  	s6 =	simm.s32 $_scs_section_size  }
0x9c: {  	s7 =	simm.s32 $_size__tile_overlayer_lowered;
	s8 =	simm.s32 $_tile_overlayer_lowered  }
0x9d: {  	s23 =	simm.s32 $0x1BFF;
	s22 =	sshll.u32 s8, $0x1;
	s5 =	sadd.s32 s6, s20  }
0x9e: {  	s9 =	simm.s32 $0x0;
	s21 =	sshll.u32 s7, $0x1;
	s7 =	sadd.s32 s22, s5  }
0x9f: {  	[timem:s9], [sflag:s23] =	dma.local [hbm:s7], s21  }
0xa0: {  	_ =	swait.ge [sflag:s23], s21  }
0xa1: {  	s6 =	ssub.s32 $0x0, s21;
	[sflag:s23] =	ssyncset.done $0x0  }
0xa2: {  	[sflag:s23] =	ssyncadd.s32 s6;
	_ =	sdelay $0x1  }
0xa3: {  	s24 =	simm.s32 $0x1B8B  }
0xa4: {  	_ =	swait.ge [sflag:s24], $0x1  }
0xa5: {  	[sflag:s24] =	ssyncset.done $0x0  }
0xa6: {  	s25 =	simm.s32 $0x1B8E;
	[sflag:s24] =	ssyncadd.s32 $0xFFFFFFFF  }
0xa7: {  	s26 =	simm.s32 $execute0_lowered;
	[smem:$0x3FD2] =	sst s25  }
0xa8: {  	s6 =	sshll.u32 s26, $0x1;
	_ =	strace $0x80000046;
	[dreg:$0x1] =	wrdreg $0xFFFFFFFF  }
0xa9: {  	s28 =	simm.s32 $_size_execute0_lowered;
	s5 =	sadd.s32 s5, s6;
	[dreg:$0x0] =	wrdreg $0x0  }
0xaa: {  	s6 =	sshll.u32 s28, $0x1;
	[dreg:$0x2] =	wrdreg s5  }
0xab: {  	[dreg:$0x3] =	wrdreg s6  }
0xac: {  	[dreg:$0x4] =	wrdreg $0xC0  }
0xad: {  	_ =	task [dreg:s9], $0x5FFFF  }
0xae: {  	[dreg:$0x1] =	wrdreg $0xFFFFFFFF  }
0xaf: {  	[dreg:$0x0] =	wrdreg $0x60  }
0xb0: {  	[dreg:$0x2] =	wrdreg s2  }
0xb1: {  	[dreg:$0x3] =	wrdreg s19  }
0xb2: {  	[dreg:$0x4] =	wrdreg s4  }
0xb3: {  	[dreg:$0x5] =	wrdreg $0x9  }
0xb4: {  	_ =	task.clear_ibuf [dreg:s9], $0x6FFFF;
	_ =	strace $0x90000046  }
0xb5: {  	s29 =	simm.s32 $0x9;
	_ =	strace $0x80000048  }
0xb6: {  	_ =	swait.ge [sflag:s29], $0x1  }
0xb7: {  	[sflag:s29] =	ssyncadd.s32 $0xFFFFFFFF  }
0xb8: {  	_ =	strace $0x90000048  }
0xb9: {  	_ =	sfence  }
0xba: {  	s30 =	sld [smem:$0x0];
	_ =	sdelay $0x2  }
0xbb: {  	s31 =	sshll.u32 s1, $0xD;
	s1 =	sshrl.u32 s1, $0x2  }
0xbc: {  	s3 =	sand.u32 $0x4000, s31;
	s1 =	sadd.s32 s1, s30  }
0xbd: {  	s0 =	sor.u32 s3, s0;
	s1 =	sshll.u32 s1, $0x11  }
0xbe: {  	s0 =	sor.u32 s1, s0  }
0xbf: {  	s0 =	sadd.s32 $0x8F2B, s0  }
0xc0: {  	[sflag:s0] =	ssyncadd.remote.s32 $0x1  }
0xc1: {  	_ =	sfence.sel $0xFFFF  }
0xc2: {  	[dreg:$0x0] =	wrdreg $0xFFFFFFFF;
	(pc) =	sbr.abs _section_cstart, $3  }
0xc3: {  	[dreg:$0x1] =	wrdreg $0xFFFFFFFF  }
0xc4: {  	_ =	task.clear_ibuf [dreg:s9], $0x2FFFF;
	_ =	strace $0x9FFFFFFF  }
0xc5: {  	(tm) =	ssettm $0x7FFFFFFF  }
tec
execute0_lowered:
.L_overlay_start_1:
0x0: {  	(tag) =	ssettag $0x1  }
0x1: {  	s7 =	rddreg [dreg:$0x0]  }
0x2: {  	s3 =	rddreg [dreg:$0x1]  }
0x3: {  	s9 =	rddreg [dreg:$0x2]  }
0x4: {  	s0 =	srdreg.scid;
	s1 =	stileid.u32  }
0x5: {  	s5 =	simm.s32 $0x0;
	s29 =	simm.s32 $0xA;
	s30 =	simm.s32 $0x2  }
0x6: {  	s31 =	simm.s32 $0x4;
	s0 =	sand.u32 $0x1, s0;
	s1 =	sshll.u32 s1, $0x9  }
0x7: {  	[smem:$0x7FF] =	sst s5;
	s8 =	sadd.s32 $0x100000, s7;
	s4 =	smov.u32 s3  }
0x8: {  	s16 =	smov.u32 s9;
	s14 =	sadd.s32 $0x100000, s9;
	s2 =	sshll.u32 s0, $0x8  }
0x9: {  	s0 =	ssub.s32 $0x2, s0;
	_ =	strace $0x80000047;
	s6 =	sor.u32 s2, s1  }
0xa: {  	s22 =	sshrl.u32 s0, $0x1;
	s2 =	sshll.u32 s6, $0x7;
	s28 =	sor.u32 $0x18, s6  }
0xb: {  	s0 =	ssub.s32 s0, s22;
	s23 =	sadd.s32 s3, s2;
	[dreg:$0xa] =	wrdreg s28  }
0xc: {  	s15 =	sor.u32 $0x10, s6;
	s24 =	sadd.s32 s2, s8;
	[dreg:$0x4] =	wrdreg s23  }
0xd: {  	s10 =	sadd.s32 s7, s2;
	s25 =	sor.u32 $0x400, s2;
	[dreg:$0x6] =	wrdreg s24  }
.Ltmp0:
0xe: {  	s0 =	smax.u32 s0, $0x1;
	[dreg:$0x5] =	wrdreg s10;
	(pc) =	sbr.rel .LBB2_1-.Ltmp0, $4  }
0xf: {  	s2 =	sadd.s32 s3, s25;
	s3 =	smov.u32 s7;
	[dreg:$0xb] =	wrdreg s0  }
0x10: {  	s1 =	sadd.s32 s7, s25;
	s26 =	sadd.s32 $0x100400, s10;
	[dreg:$0x7] =	wrdreg s2  }
0x11: {  	s23 =	simm.s32 $0x9;
	s24 =	simm.s32 $0x1;
	[dreg:$0x8] =	wrdreg s1  }
0x12: {  	s25 =	simm.s32 $0x3;
	[dreg:$0x9] =	wrdreg s26;
	s2 =	simm.s32 $0x0  }
.LBB2_12:
0x13: {  	s0 =	simm.s32 $0x5  }
0x14: {  	_ =	swait.ge [sflag:s0], $0x2000  }
0x15: {  	[sflag:s0] =	ssyncset.done $0x0  }
0x16: {  	s22 =	simm.s32 $0x7;
	[sflag:s0] =	ssyncadd.s32 $0xFFFFE000  }
0x17: {  	_ =	swait.ge [sflag:s22], $0x2000  }
0x18: {  	[sflag:s22] =	ssyncset.done $0x0  }
0x19: {  	s26 =	simm.s32 $0x6;
	[sflag:s22] =	ssyncadd.s32 $0xFFFFE000  }
0x1a: {  	_ =	swait.ge [sflag:s26], $0x2000  }
0x1b: {  	[sflag:s26] =	ssyncset.done $0x0  }
0x1c: {  	s1 =	simm.s32 $0x8;
	[sflag:s26] =	ssyncadd.s32 $0xFFFFE000  }
0x1d: {  	_ =	swait.ge [sflag:s1], $0x2000  }
0x1e: {  	s2 =	rddreg [dreg:$0xc]  }
0x1f: {  	s28 =	rddreg [dreg:$0xb];
	s2 =	sadd.s32 $0x1, s2  }
0x20: {  	p0 =	sne.s32 s2, s28  }
.Ltmp1:
0x21: {  	_ = 	snop;
	(pc) =	sbr.rel @!p0 .LBB2_13-.Ltmp1, $3  }
0x22: {  	_ =	sdelay $0x1  }
0x23: {  	[sflag:s1] =	ssyncset.done $0x0  }
0x24: {  	[sflag:s1] =	ssyncadd.s32 $0xFFFFE000  }
.LBB2_1:
0x25: {  	[dreg:$0xc] =	wrdreg s2  }
0x26: {  	s0 =	rddreg [dreg:$0x4];
	s1 =	simm.s32 $0x10000  }
0x27: {  	[tilespmem:s1], [sflag:$0x9] =	stream.linear.gather [hbm4b:s0+s5], $0x2000, $0x38;
	[tilespmem:$0x14000] =	vst v63  }
0x28: {  	s13 =	rddreg [dreg:$0x5]  }
0x29: {  	[tilespmem:s5], [sflag:$0x1] =	stream.linear.gather [hbm4b:s13+s5], $0x2000, $0x38;
	[tilespmem:$0x14000] =	vst v63  }
0x2a: {  	s17 =	rddreg [dreg:$0x6];
	s18 =	simm.s32 $0x4000  }
0x2b: {  	[tilespmem:s18], [sflag:$0x3] =	stream.linear.gather [hbm4b:s17+s5], $0x2000, $0x38;
	[tilespmem:$0x14000] =	vst v63  }
0x2c: {  	s19 =	rddreg [dreg:$0x7];
	s20 =	simm.s32 $0x12000  }
0x2d: {  	[tilespmem:s20], [sflag:$0xA] =	stream.linear.gather [hbm4b:s19+s5], $0x2000, $0x38;
	[tilespmem:$0x14000] =	vst v63  }
0x2e: {  	s21 =	rddreg [dreg:$0x8];
	s22 =	simm.s32 $0x2000  }
0x2f: {  	[tilespmem:s22], [sflag:$0x2] =	stream.linear.gather [hbm4b:s21+s5], $0x2000, $0x38;
	[tilespmem:$0x14000] =	vst v63  }
0x30: {  	s26 =	rddreg [dreg:$0x9];
	s28 =	simm.s32 $0x6000;
	s12 =	simm.s32 $0x0  }
0x31: {  	[tilespmem:s28], [sflag:$0x4] =	stream.linear.gather [hbm4b:s26+s5], $0x2000, $0x38;
	[tilespmem:$0x14000] =	vst v63  }
.LBB2_2:
0x32: {  	_ =	swait.ge [sflag:s23], $0x2000  }
0x33: {  	[sflag:s23] =	ssyncset.done $0x0  }
0x34: {  	[sflag:s23] =	ssyncadd.s32 $0xFFFFE000  }
0x35: {  	_ =	swait.ge [sflag:s24], $0x2000  }
0x36: {  	[sflag:s24] =	ssyncset.done $0x0  }
0x37: {  	[sflag:s24] =	ssyncadd.s32 $0xFFFFE000  }
0x38: {  	_ =	swait.ge [sflag:s25], $0x2000  }
0x39: {  	p0 =	seq.s32 s12, $0x0;
	[sflag:s25] =	ssyncset.done $0x0  }
0x3a: {  	s0 =	simm.s32 @!p0 $0x5;
	[sflag:s25] =	ssyncadd.s32 $0xFFFFE000  }
0x3b: {  	_ =	swait.ge @!p0 [sflag:s0], $0x2000  }
0x3c: {  	s13 =	sshll.u32 s12, $0x4;
	[sflag:s0] =	ssyncset.done @!p0 $0x0  }
0x3d: {  	s9 =	simm.s32 $0x0;
	[sflag:s0] =	ssyncadd.s32 @!p0 $0xFFFFE000;
	s0 =	simm.s32 @!p0 $0x7  }
0x3e: {  	s19 =	simm.s32 $0x4040;
	s7 =	simm.s32 $0x8040;
	_ =	swait.ge @!p0 [sflag:s0], $0x2000  }
0x3f: {  	s10 =	simm.s32 $0x40;
	s11 =	simm.s32 $0x10040;
	[sflag:s0] =	ssyncset.done @!p0 $0x0  }
0x40: {  	s17 =	sor.u32 s6, s13;
	[sflag:s0] =	ssyncadd.s32 @!p0 $0xFFFFE000;
	s0 =	simm.s32 $0xC040  }
.LBB2_3:
0x41: {  	v0 =	vld [tilespmem:s11+$0x30]  }
0x42: {  	v1 =	vld [tilespmem:s10+$0x30]  }
0x43: {  	v2 =	vld [tilespmem:s10+$0xFFFFFFC0]  }
0x44: {  	v3 =	vld [tilespmem:s11+$0xFFFFFFD0]  }
0x45: {  	v4 =	vld [tilespmem:s10+$0xFFFFFFD0]  }
0x46: {  	v5 =	vld [tilespmem:s11+$0xFFFFFFE0]  }
0x47: {  	v6 =	vld [tilespmem:s10+$0xFFFFFFE0]  }
0x48: {  	v7 =	vld [tilespmem:s11+$0xFFFFFFF0]  }
0x49: {  	v8 =	vld [tilespmem:s10+$0xFFFFFFF0]  }
0x4a: {  	v9 =	vld [tilespmem:s11+$0x0]  }
0x4b: {  	v10 =	vld [tilespmem:s10+$0x0]  }
0x4c: {  	v11 =	vld [tilespmem:s11+$0x10]  }
0x4d: {  	v12 =	vld [tilespmem:s10+$0x10]  }
0x4e: {  	v13 =	vld [tilespmem:s11+$0x20]  }
0x4f: {  	v15 =	vld [tilespmem:s11+$0xFFFFFFC0];
	s1 =	sadd.s32 $0x400, s11  }
0x50: {  	s20 =	sadd.s32 $0x400, s10;
	v18 =	vld [tilespmem:s1+$0x30]  }
0x51: {  	v19 =	vld [tilespmem:s20+$0xFFFFFFC0]  }
0x52: {  	v20 =	vld [tilespmem:s1+$0xFFFFFFD0];
	v1 =	vadd.f32 v1, v0  }
0x53: {  	v21 =	vld [tilespmem:s20+$0xFFFFFFD0];
	v6 =	vadd.f32 v6, v5  }
0x54: {  	[tilespmem:s7+$0x30] =	vst v1;
	v1 =	vadd.f32 v4, v3;
	v4 =	vld [tilespmem:s10+$0x20]  }
0x55: {  	[tilespmem:s7+$0xFFFFFFE0] =	vst v6;
	v6 =	vadd.f32 v10, v9;
	v14 =	vld [tilespmem:s19+$0x30]  }
0x56: {  	v10 =	vld [tilespmem:s19+$0xFFFFFFE0];
	[tilespmem:s7+$0xFFFFFFD0] =	vst v1;
	v1 =	vadd.f32 v8, v7  }
0x57: {  	[tilespmem:s7+$0x0] =	vst v6;
	v8 =	vld [tilespmem:s19+$0xFFFFFFD0]  }
0x58: {  	[tilespmem:s7+$0xFFFFFFF0] =	vst v1;
	v1 =	vadd.f32 v12, v11;
	v12 =	vld [tilespmem:s19+$0x0]  }
0x59: {  	v6 =	vld [tilespmem:s19+$0xFFFFFFF0]  }
0x5a: {  	v4 =	vadd.f32 v4, v13;
	[tilespmem:s7+$0x10] =	vst v1;
	v1 =	vld [tilespmem:s1+$0xFFFFFFE0]  }
0x5b: {  	v0 =	vadd.f32 v14, v0;
	v14 =	vld [tilespmem:s20+$0xFFFFFFE0]  }
0x5c: {  	[tilespmem:s7+$0x20] =	vst v4;
	v4 =	vld [tilespmem:s20+$0x30]  }
0x5d: {  	v16 =	vld [tilespmem:s19+$0x10]  }
0x5e: {  	v17 =	vld [tilespmem:s19+$0x20];
	[tilespmem:s0+$0x30] =	vst v0;
	v0 =	vadd.f32 v2, v15  }
0x5f: {  	v2 =	vld [tilespmem:s1+$0xFFFFFFF0];
	v3 =	vadd.f32 v8, v3  }
0x60: {  	v8 =	vld [tilespmem:s20+$0xFFFFFFF0];
	[tilespmem:s7+$0xFFFFFFC0] =	vst v0;
	v0 =	vadd.f32 v10, v5  }
0x61: {  	[tilespmem:s0+$0xFFFFFFD0] =	vst v3;
	v3 =	vld [tilespmem:s1+$0x0];
	v4 =	vadd.f32 v4, v18  }
0x62: {  	s21 =	sadd.s32 $0x400, s7;
	[tilespmem:s0+$0xFFFFFFE0] =	vst v0;
	v0 =	vadd.f32 v12, v9;
	v12 =	vld [tilespmem:s20+$0x20]  }
0x63: {  	v5 =	vadd.f32 v16, v11;
	[tilespmem:s21+$0x30] =	vst v4;
	v4 =	vadd.f32 v6, v7;
	v6 =	vld [tilespmem:s20+$0x0]  }
0x64: {  	s22 =	sadd.s32 $0x400, s19;
	[tilespmem:s0+$0x0] =	vst v0;
	v7 =	vld [tilespmem:s20+$0x10]  }
0x65: {  	v9 =	vadd.f32 v21, v20;
	[tilespmem:s0+$0x10] =	vst v5;
	v10 =	vld [tilespmem:s22+$0x30]  }
0x66: {  	v0 =	vadd.f32 v17, v13;
	[tilespmem:s0+$0xFFFFFFF0] =	vst v4;
	v4 =	vld [tilespmem:s1+$0x10]  }
0x67: {  	v11 =	vadd.f32 v14, v1;
	v5 =	vld [tilespmem:s1+$0x20];
	[tilespmem:s21+$0xFFFFFFD0] =	vst v9  }
0x68: {  	v8 =	vadd.f32 v8, v2;
	[tilespmem:s0+$0x20] =	vst v0;
	v0 =	vld [tilespmem:s1+$0xFFFFFFC0]  }
0x69: {  	[tilespmem:s21+$0xFFFFFFE0] =	vst v11;
	v11 =	vld [tilespmem:s19+$0xFFFFFFC0];
	v6 =	vadd.f32 v6, v3  }
0x6a: {  	[tilespmem:s21+$0xFFFFFFF0] =	vst v8;
	v13 =	vld [tilespmem:s22+$0xFFFFFFD0];
	v9 =	vadd.f32 v10, v18  }
0x6b: {  	s26 =	sadd.s32 $0x400, s0;
	v10 =	vld [tilespmem:s22+$0xFFFFFFE0];
	v8 =	vadd.f32 v7, v4;
	[tilespmem:s21+$0x0] =	vst v6  }
0x6c: {  	v7 =	vld [tilespmem:s22+$0xFFFFFFF0];
	[tilespmem:s26+$0x30] =	vst v9;
	v9 =	vadd.f32 v12, v5  }
0x6d: {  	v14 =	vadd.f32 v19, v0;
	[tilespmem:s21+$0x10] =	vst v8;
	v8 =	vld [tilespmem:s22+$0x0]  }
0x6e: {  	s28 =	simm.s32 $0x80;
	v12 =	vadd.f32 v11, v15;
	v6 =	vld [tilespmem:s22+$0x10];
	[tilespmem:s21+$0x20] =	vst v9  }
0x6f: {  	s18 =	smov.u32 s0;
	s2 =	smov.u32 s22;
	s1 =	sadd.s32 $0x400, s1;
	v11 =	vadd.f32 v13, v20;
	[tilespmem:s21+$0xFFFFFFC0] =	vst v14;
	v9 =	vld [tilespmem:s22+$0x20]  }
.LBB2_4:
0x70: {  	v13 =	vld [tilespmem:s1+$0x30];
	v1 =	vadd.f32 v10, v1;
	s20 =	sadd.s32 $0x400, s20;
	[tilespmem:s18+$0xFFFFFFC0] =	vst v12;
	s18 =	smov.u32 s26  }
0x71: {  	s28 =	sadd.s32 $0x80, s28;
	v10 =	vld [tilespmem:s20+$0x30];
	[tilespmem:s26+$0xFFFFFFD0] =	vst v11;
	v2 =	vadd.f32 v7, v2  }
0x72: {  	p1 =	slt.u32 s28, $0x380;
	v11 =	vld [tilespmem:s20+$0xFFFFFFC0];
	[tilespmem:s26+$0xFFFFFFE0] =	vst v1;
	v1 =	vadd.f32 v8, v3  }
0x73: {  	v14 =	vld [tilespmem:s1+$0xFFFFFFD0];
	[tilespmem:s26+$0xFFFFFFF0] =	vst v2;
	v2 =	vadd.f32 v6, v4  }
0x74: {  	v3 =	vld [tilespmem:s20+$0xFFFFFFD0];
	[tilespmem:s26+$0x0] =	vst v1;
	v4 =	vadd.f32 v9, v5  }
0x75: {  	v1 =	vld [tilespmem:s1+$0xFFFFFFE0];
	[tilespmem:s26+$0x10] =	vst v2  }
0x76: {  	v5 =	vld [tilespmem:s20+$0xFFFFFFE0];
	v6 =	vadd.f32 v10, v13;
	[tilespmem:s26+$0x20] =	vst v4  }
0x77: {  	s21 =	sadd.s32 $0x400, s21;
	v2 =	vld [tilespmem:s1+$0xFFFFFFF0]  }
0x78: {  	s22 =	sadd.s32 $0x400, s22;
	v7 =	vld [tilespmem:s20+$0xFFFFFFF0];
	[tilespmem:s21+$0x30] =	vst v6  }
0x79: {  	v4 =	vadd.f32 v3, v14;
	v6 =	vld [tilespmem:s22+$0x30]  }
0x7a: {  	v3 =	vld [tilespmem:s1+$0x0]  }
0x7b: {  	[tilespmem:s21+$0xFFFFFFD0] =	vst v4;
	v5 =	vadd.f32 v5, v1;
	v8 =	vld [tilespmem:s20+$0x0]  }
0x7c: {  	v4 =	vld [tilespmem:s1+$0x10]  }
0x7d: {  	[tilespmem:s21+$0xFFFFFFE0] =	vst v5;
	v7 =	vadd.f32 v7, v2;
	v9 =	vld [tilespmem:s20+$0x10]  }
0x7e: {  	v5 =	vld [tilespmem:s1+$0x20];
	v6 =	vadd.f32 v6, v13  }
0x7f: {  	s26 =	sadd.s32 $0x400, s26;
	[tilespmem:s21+$0xFFFFFFF0] =	vst v7;
	v12 =	vld [tilespmem:s20+$0x20]  }
0x80: {  	v13 =	vld [tilespmem:s1+$0xFFFFFFC0];
	v7 =	vadd.f32 v8, v3;
	[tilespmem:s26+$0x30] =	vst v6  }
0x81: {  	v15 =	vld [tilespmem:s2+$0xFFFFFFC0];
	s2 =	smov.u32 s22  }
0x82: {  	v16 =	vld [tilespmem:s22+$0xFFFFFFD0];
	[tilespmem:s21+$0x0] =	vst v7;
	v6 =	vadd.f32 v9, v4  }
.Ltmp2:
0x83: {  	v10 =	vld [tilespmem:s22+$0xFFFFFFE0];
	(pc) =	sbr.rel @p1 .LBB2_4-.Ltmp2, $4  }
0x84: {  	v7 =	vld [tilespmem:s22+$0xFFFFFFF0];
	[tilespmem:s21+$0x10] =	vst v6;
	v9 =	vadd.f32 v12, v5  }
0x85: {  	v11 =	vadd.f32 v11, v13;
	v8 =	vld [tilespmem:s22+$0x0]  }
0x86: {  	v6 =	vld [tilespmem:s22+$0x10];
	[tilespmem:s21+$0x20] =	vst v9;
	v12 =	vadd.f32 v15, v0;
	v0 =	vmov v13  }
0x87: {  	s1 =	sadd.s32 $0x400, s1;
	[tilespmem:s21+$0xFFFFFFC0] =	vst v11;
	v11 =	vadd.f32 v16, v14;
	v9 =	vld [tilespmem:s22+$0x20]  }
0x88: {  	v1 =	vadd.f32 v10, v1;
	[tilespmem:s18+$0xFFFFFFC0] =	vst v12;
	v60 =	vld [tilespmem:s2+$0xFFFFFFC0]  }
0x89: {  	s9 =	sadd.s32 $0x1, s9;
	[tilespmem:s26+$0xFFFFFFD0] =	vst v11;
	v2 =	vadd.f32 v7, v2  }
0x8a: {  	p1 =	sne.s32 s9, $0x8;
	[tilespmem:s26+$0xFFFFFFE0] =	vst v1;
	v61 =	vadd.f32 v8, v3  }
.Ltmp3:
0x8b: {  	[tilespmem:s26+$0xFFFFFFF0] =	vst v2;
	v62 =	vadd.f32 v6, v4;
	(pc) =	sbr.rel @p1 .LBB2_3-.Ltmp3, $4  }
0x8c: {  	[tilespmem:s26+$0x0] =	vst v61;
	v63 =	vadd.f32 v9, v5  }
0x8d: {  	[tilespmem:s26+$0x10] =	vst v62;
	v0 =	vadd.f32 v60, v0  }
0x8e: {  	s0 =	sadd.s32 $0x80, s0;
	s19 =	sadd.s32 $0x80, s19;
	[tilespmem:s26+$0x20] =	vst v63  }
0x8f: {  	s7 =	sadd.s32 $0x80, s7;
	s10 =	sadd.s32 $0x80, s10;
	s11 =	sadd.s32 $0x80, s11;
	[tilespmem:s26+$0xFFFFFFC0] =	vst v0  }
0x90: {  	s17 =	sshll.u32 s17, $0x7  }
0x91: {  	s1 =	simm.s32 $0x8000;
	p1 =	seq.s32 s12, $0xF;
	s0 =	sadd.s32 s16, s17  }
0x92: {  	[hbm4b:s0+s5] =	stream.linear.scatter [tilespmem:s1], [sflag:$0x5], $0x2000, $0x38;
	[tilespmem:$0x14000] =	vst v63  }
0x93: {  	s0 =	sadd.s32 @!p1 s13, s15  }
0x94: {  	s28 =	simm.s32 $0xC000;
	s26 =	sadd.s32 s17, s14;
	s0 =	sshll.u32 @!p1 s0, $0x7  }
0x95: {  	[hbm4b:s26+s5] =	stream.linear.scatter [tilespmem:s28], [sflag:$0x7], $0x2000, $0x38;
	[tilespmem:$0x14000] =	vst v63  }
0x96: {  	s2 =	simm.s32 @!p1 $0x0;
	s7 =	simm.s32 @!p1 $0x10000;
	s1 =	sadd.s32 @!p1 s4, s0  }
0x97: {  	[tilespmem:s7], [sflag:$0x9] =	stream.linear.gather @!p1 [hbm4b:s1+s2], $0x2000, $0x38;
	[tilespmem:$0x14000] =	vst v63  }
0x98: {  	s1 =	sadd.s32 @!p1 s3, s0  }
0x99: {  	[tilespmem:s2], [sflag:$0x1] =	stream.linear.gather @!p1 [hbm4b:s1+s2], $0x2000, $0x38;
	[tilespmem:$0x14000] =	vst v63  }
0x9a: {  	s0 =	sadd.s32 @!p1 s0, s8;
	s1 =	simm.s32 @!p1 $0x4000  }
0x9b: {  	[tilespmem:s1], [sflag:$0x3] =	stream.linear.gather @!p1 [hbm4b:s0+s2], $0x2000, $0x38;
	[tilespmem:$0x14000] =	vst v63  }
0x9c: {  	_ =	swait.ge [sflag:s29], $0x2000  }
0x9d: {  	[sflag:s29] =	ssyncset.done $0x0  }
0x9e: {  	[sflag:s29] =	ssyncadd.s32 $0xFFFFE000  }
0x9f: {  	_ =	swait.ge [sflag:s30], $0x2000  }
0xa0: {  	[sflag:s30] =	ssyncset.done $0x0  }
0xa1: {  	[sflag:s30] =	ssyncadd.s32 $0xFFFFE000  }
0xa2: {  	_ =	swait.ge [sflag:s31], $0x2000  }
0xa3: {  	[sflag:s31] =	ssyncset.done $0x0  }
0xa4: {  	s0 =	simm.s32 @!p0 $0x6;
	[sflag:s31] =	ssyncadd.s32 $0xFFFFE000  }
0xa5: {  	_ =	swait.ge @!p0 [sflag:s0], $0x2000  }
0xa6: {  	[sflag:s0] =	ssyncset.done @!p0 $0x0  }
0xa7: {  	[sflag:s0] =	ssyncadd.s32 @!p0 $0xFFFFE000;
	s0 =	simm.s32 @!p0 $0x8  }
0xa8: {  	s9 =	simm.s32 $0x0;
	s18 =	simm.s32 $0xE040;
	_ =	swait.ge @!p0 [sflag:s0], $0x2000  }
0xa9: {  	s19 =	simm.s32 $0x6040;
	s10 =	simm.s32 $0x2040;
	[sflag:s0] =	ssyncset.done @!p0 $0x0  }
0xaa: {  	s11 =	simm.s32 $0x12040;
	s7 =	simm.s32 $0xA040;
	[sflag:s0] =	ssyncadd.s32 @!p0 $0xFFFFE000  }
.LBB2_7:
0xab: {  	v0 =	vld [tilespmem:s11+$0x30]  }
0xac: {  	v1 =	vld [tilespmem:s10+$0x30]  }
0xad: {  	v2 =	vld [tilespmem:s10+$0xFFFFFFC0]  }
0xae: {  	v3 =	vld [tilespmem:s11+$0xFFFFFFD0]  }
0xaf: {  	v4 =	vld [tilespmem:s10+$0xFFFFFFD0]  }
0xb0: {  	v5 =	vld [tilespmem:s11+$0xFFFFFFE0]  }
0xb1: {  	v6 =	vld [tilespmem:s10+$0xFFFFFFE0]  }
0xb2: {  	v7 =	vld [tilespmem:s11+$0xFFFFFFF0]  }
0xb3: {  	v8 =	vld [tilespmem:s10+$0xFFFFFFF0]  }
0xb4: {  	v9 =	vld [tilespmem:s11+$0x0]  }
0xb5: {  	v10 =	vld [tilespmem:s10+$0x0]  }
0xb6: {  	v11 =	vld [tilespmem:s11+$0x10]  }
0xb7: {  	v12 =	vld [tilespmem:s10+$0x10]  }
0xb8: {  	v13 =	vld [tilespmem:s11+$0x20]  }
0xb9: {  	v15 =	vld [tilespmem:s11+$0xFFFFFFC0];
	s0 =	sadd.s32 $0x400, s11  }
0xba: {  	s20 =	sadd.s32 $0x400, s10;
	v18 =	vld [tilespmem:s0+$0x30]  }
0xbb: {  	v19 =	vld [tilespmem:s20+$0xFFFFFFC0]  }
0xbc: {  	v20 =	vld [tilespmem:s0+$0xFFFFFFD0];
	v1 =	vadd.f32 v1, v0  }
0xbd: {  	v21 =	vld [tilespmem:s20+$0xFFFFFFD0];
	v6 =	vadd.f32 v6, v5  }
0xbe: {  	[tilespmem:s7+$0x30] =	vst v1;
	v1 =	vadd.f32 v4, v3;
	v4 =	vld [tilespmem:s10+$0x20]  }
0xbf: {  	[tilespmem:s7+$0xFFFFFFE0] =	vst v6;
	v6 =	vadd.f32 v10, v9;
	v14 =	vld [tilespmem:s19+$0x30]  }
0xc0: {  	v10 =	vld [tilespmem:s19+$0xFFFFFFE0];
	[tilespmem:s7+$0xFFFFFFD0] =	vst v1;
	v1 =	vadd.f32 v8, v7  }
0xc1: {  	[tilespmem:s7+$0x0] =	vst v6;
	v8 =	vld [tilespmem:s19+$0xFFFFFFD0]  }
0xc2: {  	[tilespmem:s7+$0xFFFFFFF0] =	vst v1;
	v1 =	vadd.f32 v12, v11;
	v12 =	vld [tilespmem:s19+$0x0]  }
0xc3: {  	v6 =	vld [tilespmem:s19+$0xFFFFFFF0]  }
0xc4: {  	v4 =	vadd.f32 v4, v13;
	[tilespmem:s7+$0x10] =	vst v1;
	v1 =	vld [tilespmem:s0+$0xFFFFFFE0]  }
0xc5: {  	v0 =	vadd.f32 v14, v0;
	v14 =	vld [tilespmem:s20+$0xFFFFFFE0]  }
0xc6: {  	[tilespmem:s7+$0x20] =	vst v4;
	v4 =	vld [tilespmem:s20+$0x30]  }
0xc7: {  	v16 =	vld [tilespmem:s19+$0x10]  }
0xc8: {  	v17 =	vld [tilespmem:s19+$0x20];
	[tilespmem:s18+$0x30] =	vst v0;
	v0 =	vadd.f32 v2, v15  }
0xc9: {  	v2 =	vld [tilespmem:s0+$0xFFFFFFF0];
	v3 =	vadd.f32 v8, v3  }
0xca: {  	v8 =	vld [tilespmem:s20+$0xFFFFFFF0];
	[tilespmem:s7+$0xFFFFFFC0] =	vst v0;
	v0 =	vadd.f32 v10, v5  }
0xcb: {  	[tilespmem:s18+$0xFFFFFFD0] =	vst v3;
	v3 =	vld [tilespmem:s0+$0x0];
	v4 =	vadd.f32 v4, v18  }
0xcc: {  	s21 =	sadd.s32 $0x400, s7;
	[tilespmem:s18+$0xFFFFFFE0] =	vst v0;
	v0 =	vadd.f32 v12, v9;
	v12 =	vld [tilespmem:s20+$0x20]  }
0xcd: {  	v5 =	vadd.f32 v16, v11;
	[tilespmem:s21+$0x30] =	vst v4;
	v4 =	vadd.f32 v6, v7;
	v6 =	vld [tilespmem:s20+$0x0]  }
0xce: {  	s22 =	sadd.s32 $0x400, s19;
	[tilespmem:s18+$0x0] =	vst v0;
	v7 =	vld [tilespmem:s20+$0x10]  }
0xcf: {  	v9 =	vadd.f32 v21, v20;
	[tilespmem:s18+$0x10] =	vst v5;
	v10 =	vld [tilespmem:s22+$0x30]  }
0xd0: {  	v0 =	vadd.f32 v17, v13;
	[tilespmem:s18+$0xFFFFFFF0] =	vst v4;
	v4 =	vld [tilespmem:s0+$0x10]  }
0xd1: {  	v11 =	vadd.f32 v14, v1;
	v5 =	vld [tilespmem:s0+$0x20];
	[tilespmem:s21+$0xFFFFFFD0] =	vst v9  }
0xd2: {  	v8 =	vadd.f32 v8, v2;
	[tilespmem:s18+$0x20] =	vst v0;
	v0 =	vld [tilespmem:s0+$0xFFFFFFC0]  }
0xd3: {  	[tilespmem:s21+$0xFFFFFFE0] =	vst v11;
	v11 =	vld [tilespmem:s19+$0xFFFFFFC0];
	v6 =	vadd.f32 v6, v3  }
0xd4: {  	[tilespmem:s21+$0xFFFFFFF0] =	vst v8;
	v13 =	vld [tilespmem:s22+$0xFFFFFFD0];
	v9 =	vadd.f32 v10, v18  }
0xd5: {  	s26 =	sadd.s32 $0x400, s18;
	v10 =	vld [tilespmem:s22+$0xFFFFFFE0];
	v8 =	vadd.f32 v7, v4;
	[tilespmem:s21+$0x0] =	vst v6  }
0xd6: {  	v7 =	vld [tilespmem:s22+$0xFFFFFFF0];
	[tilespmem:s26+$0x30] =	vst v9;
	v9 =	vadd.f32 v12, v5  }
0xd7: {  	v14 =	vadd.f32 v19, v0;
	[tilespmem:s21+$0x10] =	vst v8;
	v8 =	vld [tilespmem:s22+$0x0]  }
0xd8: {  	s28 =	simm.s32 $0x80;
	v12 =	vadd.f32 v11, v15;
	v6 =	vld [tilespmem:s22+$0x10];
	[tilespmem:s21+$0x20] =	vst v9  }
0xd9: {  	s1 =	sadd.s32 $0x400, s0;
	s2 =	smov.u32 s22;
	s0 =	smov.u32 s18;
	v11 =	vadd.f32 v13, v20;
	[tilespmem:s21+$0xFFFFFFC0] =	vst v14;
	v9 =	vld [tilespmem:s22+$0x20]  }
.LBB2_8:
0xda: {  	v13 =	vld [tilespmem:s1+$0x30];
	v1 =	vadd.f32 v10, v1;
	s20 =	sadd.s32 $0x400, s20;
	[tilespmem:s0+$0xFFFFFFC0] =	vst v12;
	s0 =	smov.u32 s26  }
0xdb: {  	s28 =	sadd.s32 $0x80, s28;
	v10 =	vld [tilespmem:s20+$0x30];
	[tilespmem:s26+$0xFFFFFFD0] =	vst v11;
	v2 =	vadd.f32 v7, v2  }
0xdc: {  	p0 =	slt.u32 s28, $0x380;
	v11 =	vld [tilespmem:s20+$0xFFFFFFC0];
	[tilespmem:s26+$0xFFFFFFE0] =	vst v1;
	v1 =	vadd.f32 v8, v3  }
0xdd: {  	v14 =	vld [tilespmem:s1+$0xFFFFFFD0];
	[tilespmem:s26+$0xFFFFFFF0] =	vst v2;
	v2 =	vadd.f32 v6, v4  }
0xde: {  	v3 =	vld [tilespmem:s20+$0xFFFFFFD0];
	[tilespmem:s26+$0x0] =	vst v1;
	v4 =	vadd.f32 v9, v5  }
0xdf: {  	v1 =	vld [tilespmem:s1+$0xFFFFFFE0];
	[tilespmem:s26+$0x10] =	vst v2  }
0xe0: {  	v5 =	vld [tilespmem:s20+$0xFFFFFFE0];
	v6 =	vadd.f32 v10, v13;
	[tilespmem:s26+$0x20] =	vst v4  }
0xe1: {  	s21 =	sadd.s32 $0x400, s21;
	v2 =	vld [tilespmem:s1+$0xFFFFFFF0]  }
0xe2: {  	s22 =	sadd.s32 $0x400, s22;
	v7 =	vld [tilespmem:s20+$0xFFFFFFF0];
	[tilespmem:s21+$0x30] =	vst v6  }
0xe3: {  	v4 =	vadd.f32 v3, v14;
	v6 =	vld [tilespmem:s22+$0x30]  }
0xe4: {  	v3 =	vld [tilespmem:s1+$0x0]  }
0xe5: {  	[tilespmem:s21+$0xFFFFFFD0] =	vst v4;
	v5 =	vadd.f32 v5, v1;
	v8 =	vld [tilespmem:s20+$0x0]  }
0xe6: {  	v4 =	vld [tilespmem:s1+$0x10]  }
0xe7: {  	[tilespmem:s21+$0xFFFFFFE0] =	vst v5;
	v7 =	vadd.f32 v7, v2;
	v9 =	vld [tilespmem:s20+$0x10]  }
0xe8: {  	v5 =	vld [tilespmem:s1+$0x20];
	v6 =	vadd.f32 v6, v13  }
0xe9: {  	s26 =	sadd.s32 $0x400, s26;
	[tilespmem:s21+$0xFFFFFFF0] =	vst v7;
	v12 =	vld [tilespmem:s20+$0x20]  }
0xea: {  	v13 =	vld [tilespmem:s1+$0xFFFFFFC0];
	v7 =	vadd.f32 v8, v3;
	[tilespmem:s26+$0x30] =	vst v6  }
0xeb: {  	v15 =	vld [tilespmem:s2+$0xFFFFFFC0];
	s2 =	smov.u32 s22  }
0xec: {  	v16 =	vld [tilespmem:s22+$0xFFFFFFD0];
	[tilespmem:s21+$0x0] =	vst v7;
	v6 =	vadd.f32 v9, v4  }
.Ltmp4:
0xed: {  	v10 =	vld [tilespmem:s22+$0xFFFFFFE0];
	(pc) =	sbr.rel @p0 .LBB2_8-.Ltmp4, $4  }
0xee: {  	v7 =	vld [tilespmem:s22+$0xFFFFFFF0];
	[tilespmem:s21+$0x10] =	vst v6;
	v9 =	vadd.f32 v12, v5  }
0xef: {  	v11 =	vadd.f32 v11, v13;
	v8 =	vld [tilespmem:s22+$0x0]  }
0xf0: {  	v6 =	vld [tilespmem:s22+$0x10];
	[tilespmem:s21+$0x20] =	vst v9;
	v12 =	vadd.f32 v15, v0;
	v0 =	vmov v13  }
0xf1: {  	s1 =	sadd.s32 $0x400, s1;
	[tilespmem:s21+$0xFFFFFFC0] =	vst v11;
	v11 =	vadd.f32 v16, v14;
	v9 =	vld [tilespmem:s22+$0x20]  }
0xf2: {  	v1 =	vadd.f32 v10, v1;
	[tilespmem:s0+$0xFFFFFFC0] =	vst v12;
	v60 =	vld [tilespmem:s2+$0xFFFFFFC0]  }
0xf3: {  	s9 =	sadd.s32 $0x1, s9;
	[tilespmem:s26+$0xFFFFFFD0] =	vst v11;
	v2 =	vadd.f32 v7, v2  }
0xf4: {  	p0 =	sne.s32 s9, $0x8;
	[tilespmem:s26+$0xFFFFFFE0] =	vst v1;
	v61 =	vadd.f32 v8, v3  }
.Ltmp5:
0xf5: {  	[tilespmem:s26+$0xFFFFFFF0] =	vst v2;
	v62 =	vadd.f32 v6, v4;
	(pc) =	sbr.rel @p0 .LBB2_7-.Ltmp5, $4  }
0xf6: {  	[tilespmem:s26+$0x0] =	vst v61;
	v63 =	vadd.f32 v9, v5  }
0xf7: {  	[tilespmem:s26+$0x10] =	vst v62;
	v0 =	vadd.f32 v60, v0  }
0xf8: {  	s18 =	sadd.s32 $0x80, s18;
	s19 =	sadd.s32 $0x80, s19;
	[tilespmem:s26+$0x20] =	vst v63  }
0xf9: {  	s7 =	sadd.s32 $0x80, s7;
	s10 =	sadd.s32 $0x80, s10;
	s11 =	sadd.s32 $0x80, s11;
	[tilespmem:s26+$0xFFFFFFC0] =	vst v0  }
.Ltmp6:
0xfa: {  	s0 =	sor.u32 $0x400, s17;
	(pc) =	sbr.rel @p1 .LBB2_12-.Ltmp6, $4  }
0xfb: {  	s2 =	simm.s32 $0xA000;
	s1 =	sadd.s32 s16, s0  }
0xfc: {  	[hbm4b:s1+s5] =	stream.linear.scatter [tilespmem:s2], [sflag:$0x6], $0x2000, $0x38;
	[tilespmem:$0x14000] =	vst v63  }
0xfd: {  	s28 =	simm.s32 $0xE000;
	s0 =	sadd.s32 s0, s14  }
0xfe: {  	[hbm4b:s0+s5] =	stream.linear.scatter [tilespmem:s28], [sflag:$0x8], $0x2000, $0x38;
	[tilespmem:$0x14000] =	vst v63  }
0xff: {  	s0 =	rddreg [dreg:$0xa]  }
0x100: {  	s0 =	sadd.s32 s13, s0  }
0x101: {  	s0 =	sshll.u32 s0, $0x7  }
0x102: {  	s2 =	simm.s32 $0x12000;
	s1 =	sadd.s32 s4, s0  }
0x103: {  	[tilespmem:s2], [sflag:$0xA] =	stream.linear.gather [hbm4b:s1+s5], $0x2000, $0x38;
	[tilespmem:$0x14000] =	vst v63  }
.Ltmp7:
0x104: {  	_ = 	snop;
	(pc) =	sbr.rel .LBB2_2-.Ltmp7, $4  }
0x105: {  	s26 =	simm.s32 $0x2000;
	s22 =	sadd.s32 s3, s0  }
0x106: {  	[tilespmem:s26], [sflag:$0x2] =	stream.linear.gather [hbm4b:s22+s5], $0x2000, $0x38;
	[tilespmem:$0x14000] =	vst v63  }
0x107: {  	s28 =	simm.s32 $0x6000;
	s12 =	sadd.s32 $0x1, s12;
	s0 =	sadd.s32 s0, s8  }
0x108: {  	[tilespmem:s28], [sflag:$0x4] =	stream.linear.gather [hbm4b:s0+s5], $0x2000, $0x38;
	[tilespmem:$0x14000] =	vst v63  }
.LBB2_13:
0x109: {  	_ =	sfence.sel $0x180000  }
0x10a: {  	[bflag:$0x0] =	sbarrier.arrive $0xFFFF  }
0x10b: {  	_ =	strace $0x90000047  }
0x10c: {  	s0 =	stileid.u32;
	[bflag:$0x2] =	sbarrier.arrive $0xFFFF  }
0x10d: {  	p0 =	sne.s32 s0, $0x0;
	s0 =	rddreg [dreg:$0x3]  }
0x10e: {  	s0 =	sadd.s32 @!p0 $0x100000, s0  }
0x10f: {  	[sflag:s0] =	ssyncadd.tile.s32 @!p0 $0x1;
	_ =	shalt  }
.Lfunc_end2:
_tile_overlayer_lowered:
.L_overlay_start_2:
0x110: {  	(tag) =	ssettag $0x2  }
0x111: {  	s0 =	rddreg [dreg:$0x0];
	s2 =	stileid.u32  }
0x112: {  	s1 =	rddreg [dreg:$0x1];
	p0 =	sne.s32 s2, $0x0  }
0x113: {  	s3 =	rddreg [dreg:$0x2];
	[bflag:$0x3] =	sbarrier.arrive $0xFFFF;
	s2 =	simm.s32 @!p0 $0x1C0B  }
0x114: {  	[timem:s3], [sflag:s2] =	dma.local @!p0 [hbm:s0], s1  }
0x115: {  	s0 =	simm.s32 @!p0 $0xB  }
0x116: {  	_ =	swait.ge @!p0 [sflag:s0], s1  }
0x117: {  	s1 =	ssub.s32 @!p0 $0x0, s1;
	[sflag:s0] =	ssyncset.done @!p0 $0x0  }
0x118: {  	[sflag:s0] =	ssyncadd.s32 @!p0 s1  }
0x119: {  	[bflag:$0x3] =	sbarrier.arrive $0xFFFF  }
0x11a: {  	_ =	shalt  }

</sc_bundles>
